<compile_context>
chip_gen: v7x
topology: tpu7x:2x2x1
jax: 0.10.2.dev20260603
libtpu: 0.0.44.dev20260713+nightly
codegen_flags: <defaults>
</compile_context>

<pallas_src>
import jax
import jax.numpy as jnp
import numpy as np
from jax.experimental import pallas as pl
from jax.experimental.pallas import tpu as pltpu

_EMB = 48


def _fourier_basis() -> np.ndarray:
    e = (2.0 ** np.arange(_EMB // 6)).astype(np.float32) * np.pi
    z = np.zeros(_EMB // 6, dtype=np.float32)
    return np.stack([
        np.concatenate([e, z, z]),
        np.concatenate([z, e, z]),
        np.concatenate([z, z, e]),
    ])


def _body(idx_ref, feat_ref, table_ref, w_ref, b_ref, out_ref, acc_ref):
    T, D = out_ref.shape
    pos = jax.lax.dot_general(
        feat_ref[...], w_ref[...], (((1,), (0,)), ((), ())),
        preferred_element_type=jnp.float32)
    pos = pos + b_ref[...]

    U = 32

    def tok(g, carry):
        base = g * U
        for u in range(U):
            t = base + u
            acc_ref[t] = ((table_ref[idx_ref[0, t]] + table_ref[idx_ref[1, t]])
                          + (table_ref[idx_ref[2, t]] + table_ref[idx_ref[3, t]]))
        return carry

    jax.lax.fori_loop(0, T // U, tok, 0)
    out_ref[...] = acc_ref[...].reshape(T, D) + pos


def kernel(input, centers, table, W, b):
    B, K, L = input.shape
    V, D = table.shape
    S = D // 128
    N = B * L
    T = next(t for t in (1024, 512, 256, 128, 64, 32, 16, 8, 4, 2, 1)
             if N % t == 0)

    basis = jnp.asarray(_fourier_basis())
    projections = jnp.einsum('bnd,de->bne', centers, basis)
    pos_emb = jnp.concatenate(
        [jnp.sin(projections), jnp.cos(projections)], axis=2)
    pos_in = jnp.concatenate([centers, pos_emb], axis=2)
    feat = pos_in.reshape(N, _EMB + 3)

    idx = input.transpose(1, 0, 2).reshape(K, N)
    table3 = table.reshape(V, S, 128)
    b2 = b.reshape(1, D)

    out2 = pl.pallas_call(
        _body,
        grid=(N // T,),
        in_specs=[
            pl.BlockSpec((K, T), lambda i: (0, i), memory_space=pltpu.SMEM),
            pl.BlockSpec((T, _EMB + 3), lambda i: (i, 0)),
            pl.BlockSpec((V, S, 128), lambda i: (0, 0, 0)),
            pl.BlockSpec(W.shape, lambda i: (0, 0)),
            pl.BlockSpec((1, D), lambda i: (0, 0)),
        ],
        out_specs=pl.BlockSpec((T, D), lambda i: (i, 0)),
        out_shape=jax.ShapeDtypeStruct((N, D), jnp.float32),
        scratch_shapes=[pltpu.VMEM((T, S, 128), jnp.float32)],
        compiler_params=pltpu.CompilerParams(
            dimension_semantics=("parallel",)),
    )(idx, feat, table3, W, b2)
    return out2.reshape(B, L, D)

# --- scband reference (transcript-rebuilt; emitter-appended) ---
"""Pipeline reference for scband-condition-emb-13245679141306 (READ-ONLY COPY).

The authoritative reference and input builder live on the scoring server;
editing this copy changes nothing except your own understanding.
"""

import jax, jax.numpy as jnp
import numpy as np

NUM_CLASSES = 1024 + 3 * 256 + 1  # 1793
DIM = 1024
B, L = 1024, 200
EMB_DIM = 48  # fourier feature dim


def _basis():
    e = (2.0 ** np.arange(EMB_DIM // 6)).astype(np.float32) * np.pi  # [8]
    z = np.zeros(EMB_DIM // 6, dtype=np.float32)
    b = np.stack([
        np.concatenate([e, z, z]),
        np.concatenate([z, e, z]),
        np.concatenate([z, z, e]),
    ])  # [3, 24]
    return jnp.asarray(b)


def setup_inputs(seed: int = 0) -> dict:
    key = jax.random.key(seed)
    k1, k2, k3, k4 = jax.random.split(key, 4)
    inp = jax.random.randint(k1, (B, 4, L), 0, NUM_CLASSES, dtype=jnp.int32)
    centers = jax.random.normal(k2, (B, L, 3), dtype=jnp.float32)
    table = jax.random.normal(k3, (NUM_CLASSES, DIM), dtype=jnp.float32) * 0.02
    W = jax.random.normal(k4, (EMB_DIM + 3, DIM), dtype=jnp.float32) * 0.02  # Linear(51 -> 1024)
    b = jnp.zeros((DIM,), dtype=jnp.float32)
    return {"input": inp, "centers": centers, "table": table, "W": W, "b": b}


def reference(input, centers, table, W, b):
    basis = _basis()  # [3, 24] constant buffer
    content_emb = jnp.take(table, input[:, 0, :], axis=0)  # [B, L, DIM]
    x_emb = jnp.take(table, input[:, 1, :], axis=0)
    y_emb = jnp.take(table, input[:, 2, :], axis=0)
    z_emb = jnp.take(table, input[:, 3, :], axis=0)
    projections = jnp.einsum('bnd,de->bne', centers, basis)  # [B, L, 24]
    pos_emb = jnp.concatenate([jnp.sin(projections), jnp.cos(projections)], axis=2)  # [B, L, 48]
    pos_in = jnp.concatenate([centers, pos_emb], axis=2)  # [B, L, 51]
    pos_emb = pos_in @ W + b  # [B, L, DIM]
    emb = content_emb + x_emb + y_emb + z_emb + pos_emb
    return emb

if __name__ == "__main__":
    import jax
    _d = setup_inputs()
    print(jax.jit(kernel)(*tuple(_d.values())))

</pallas_src>

<mosaic_0001>
module attributes {stable_mosaic.version = 14 : i64} {
  func.func @_body(%arg0: i32, %arg1: memref<4x1024xi32, #tpu.memory_space<smem>>, %arg2: memref<1024x51xf32, #tpu.memory_space<vmem>>, %arg3: memref<1793x8x128xf32, #tpu.memory_space<vmem>>, %arg4: memref<51x1024xf32, #tpu.memory_space<vmem>>, %arg5: memref<1x1024xf32, #tpu.memory_space<vmem>>, %arg6: memref<1024x1024xf32, #tpu.memory_space<vmem>>, %arg7: memref<1024x8x128xf32, #tpu.memory_space<vmem>>) attributes {dimension_semantics = [#tpu.dimension_semantics<parallel>], iteration_bounds = array<i64: 200>, scalar_prefetch = 0 : i64, scratch_operands = 1 : i64, tpu.core_type = #tpu.core_type<tc>, window_params = [{transform_indices = @transform_0, window_bounds = array<i64: 4, 1024>}, {transform_indices = @transform_1, window_bounds = array<i64: 1024, 51>}, {pipeline_mode = #tpu.pipeline_mode<synchronous>, transform_indices = @transform_2, window_bounds = array<i64: 1793, 8, 128>}, {pipeline_mode = #tpu.pipeline_mode<synchronous>, transform_indices = @transform_3, window_bounds = array<i64: 51, 1024>}, {pipeline_mode = #tpu.pipeline_mode<synchronous>, transform_indices = @transform_4, window_bounds = array<i64: 1, 1024>}, {transform_indices = @transform_5, window_bounds = array<i64: 1024, 1024>}]} {
    %get3A = arith.constant 0 : index
    %get3A_0 = arith.constant 0 : index
    %get3A_1 = vector.load %arg2[%get3A, %get3A_0] : memref<1024x51xf32, #tpu.memory_space<vmem>>, vector<1024x51xf32>
    %get3A_2 = arith.constant 0 : index
    %get3A_3 = arith.constant 0 : index
    %get3A_4 = vector.load %arg4[%get3A_2, %get3A_3] : memref<51x1024xf32, #tpu.memory_space<vmem>>, vector<51x1024xf32>
    %dot_general3A = arith.constant dense<0.000000e+00> : vector<1024x1024xf32>
    %dot_general3A_5 = tpu.matmul %get3A_1, %get3A_4, %dot_general3A {dimension_numbers = #tpu.dot_dimension_numbers<[1], [0], [0], [1], [0, 0, 1, 1], [], []>, transpose_lhs_hint = false} : vector<1024x51xf32>, vector<51x1024xf32>, vector<1024x1024xf32> -> vector<1024x1024xf32>
    %get3A_6 = arith.constant 0 : index
    %get3A_7 = arith.constant 0 : index
    %get3A_8 = vector.load %arg5[%get3A_6, %get3A_7] : memref<1x1024xf32, #tpu.memory_space<vmem>>, vector<1x1024xf32>
    %add3A = vector.broadcast %get3A_8 : vector<1x1024xf32> to vector<1024x1024xf32>
    %add3A_9 = arith.addf %dot_general3A_5, %add3A : vector<1024x1024xf32>
    %scan3A = arith.constant 0 : i32
    %scan3A_10 = arith.constant 32 : i32
    %scan3A_11 = arith.addi %scan3A, %scan3A_10 : i32
    %scan3A_12 = arith.constant 1 : i32
    scf.for %scan3A_21 = %scan3A to %scan3A_11 step %scan3A_12  : i32 {
      %mul3A = arith.constant 32 : i32
      %mul3A_22 = arith.muli %scan3A_21, %mul3A : i32
      %add3A_23 = arith.constant 0 : i32
      %add3A_24 = arith.addi %mul3A_22, %add3A_23 : i32
      %get3A_25 = arith.constant 0 : index
      %get3A_26 = arith.index_cast %add3A_24 : i32 to index
      %get3A_27 = memref.load %arg1[%get3A_25, %get3A_26] : memref<4x1024xi32, #tpu.memory_space<smem>>
      %get3A_28 = arith.index_cast %get3A_27 : i32 to index
      %get3A_29 = arith.constant 0 : index
      %get3A_30 = arith.constant 0 : index
      %get3A_31 = vector.load %arg3[%get3A_28, %get3A_29, %get3A_30] : memref<1793x8x128xf32, #tpu.memory_space<vmem>>, vector<1x8x128xf32>
      %get3A_32 = vector.shape_cast %get3A_31 : vector<1x8x128xf32> to vector<8x128xf32>
      %get3A_33 = arith.constant 1 : index
      %get3A_34 = arith.index_cast %add3A_24 : i32 to index
      %get3A_35 = memref.load %arg1[%get3A_33, %get3A_34] : memref<4x1024xi32, #tpu.memory_space<smem>>
      %get3A_36 = arith.index_cast %get3A_35 : i32 to index
      %get3A_37 = arith.constant 0 : index
      %get3A_38 = arith.constant 0 : index
      %get3A_39 = vector.load %arg3[%get3A_36, %get3A_37, %get3A_38] : memref<1793x8x128xf32, #tpu.memory_space<vmem>>, vector<1x8x128xf32>
      %get3A_40 = vector.shape_cast %get3A_39 : vector<1x8x128xf32> to vector<8x128xf32>
      %add3A_41 = arith.addf %get3A_32, %get3A_40 : vector<8x128xf32>
      %get3A_42 = arith.constant 2 : index
      %get3A_43 = arith.index_cast %add3A_24 : i32 to index
      %get3A_44 = memref.load %arg1[%get3A_42, %get3A_43] : memref<4x1024xi32, #tpu.memory_space<smem>>
      %get3A_45 = arith.index_cast %get3A_44 : i32 to index
      %get3A_46 = arith.constant 0 : index
      %get3A_47 = arith.constant 0 : index
      %get3A_48 = vector.load %arg3[%get3A_45, %get3A_46, %get3A_47] : memref<1793x8x128xf32, #tpu.memory_space<vmem>>, vector<1x8x128xf32>
      %get3A_49 = vector.shape_cast %get3A_48 : vector<1x8x128xf32> to vector<8x128xf32>
      %get3A_50 = arith.constant 3 : index
      %get3A_51 = arith.index_cast %add3A_24 : i32 to index
      %get3A_52 = memref.load %arg1[%get3A_50, %get3A_51] : memref<4x1024xi32, #tpu.memory_space<smem>>
      %get3A_53 = arith.index_cast %get3A_52 : i32 to index
      %get3A_54 = arith.constant 0 : index
      %get3A_55 = arith.constant 0 : index
      %get3A_56 = vector.load %arg3[%get3A_53, %get3A_54, %get3A_55] : memref<1793x8x128xf32, #tpu.memory_space<vmem>>, vector<1x8x128xf32>
      %get3A_57 = vector.shape_cast %get3A_56 : vector<1x8x128xf32> to vector<8x128xf32>
      %add3A_58 = arith.addf %get3A_49, %get3A_57 : vector<8x128xf32>
      %add3A_59 = arith.addf %add3A_41, %add3A_58 : vector<8x128xf32>
      %swap3A_60 = arith.index_cast %add3A_24 : i32 to index
      %swap3A_61 = arith.constant 0 : index
      %swap3A_62 = arith.constant 0 : index
      %swap3A_63 = vector.load %arg7[%swap3A_60, %swap3A_61, %swap3A_62] : memref<1024x8x128xf32, #tpu.memory_space<vmem>>, vector<1x8x128xf32>
      %swap3A_64 = vector.shape_cast %swap3A_63 : vector<1x8x128xf32> to vector<8x128xf32>
      %swap3A_65 = vector.shape_cast %add3A_59 : vector<8x128xf32> to vector<1x8x128xf32>
      tpu.vector_store %arg7[%swap3A_60, %swap3A_61, %swap3A_62], %swap3A_65 {strides = array<i32>} : memref<1024x8x128xf32, #tpu.memory_space<vmem>>, vector<1x8x128xf32>,
      %add3A_66 = arith.constant 1 : i32
      %add3A_67 = arith.addi %mul3A_22, %add3A_66 : i32
      %get3A_68 = arith.constant 0 : index
      %get3A_69 = arith.index_cast %add3A_67 : i32 to index
      %get3A_70 = memref.load %arg1[%get3A_68, %get3A_69] : memref<4x1024xi32, #tpu.memory_space<smem>>
      %get3A_71 = arith.index_cast %get3A_70 : i32 to index
      %get3A_72 = arith.constant 0 : index
      %get3A_73 = arith.constant 0 : index
      %get3A_74 = vector.load %arg3[%get3A_71, %get3A_72, %get3A_73] : memref<1793x8x128xf32, #tpu.memory_space<vmem>>, vector<1x8x128xf32>
      %get3A_75 = vector.shape_cast %get3A_74 : vector<1x8x128xf32> to vector<8x128xf32>
      %get3A_76 = arith.constant 1 : index
      %get3A_77 = arith.index_cast %add3A_67 : i32 to index
      %get3A_78 = memref.load %arg1[%get3A_76, %get3A_77] : memref<4x1024xi32, #tpu.memory_space<smem>>
      %get3A_79 = arith.index_cast %get3A_78 : i32 to index
      %get3A_80 = arith.constant 0 : index
      %get3A_81 = arith.constant 0 : index
      %get3A_82 = vector.load %arg3[%get3A_79, %get3A_80, %get3A_81] : memref<1793x8x128xf32, #tpu.memory_space<vmem>>, vector<1x8x128xf32>
      %get3A_83 = vector.shape_cast %get3A_82 : vector<1x8x128xf32> to vector<8x128xf32>
      %add3A_84 = arith.addf %get3A_75, %get3A_83 : vector<8x128xf32>
      %get3A_85 = arith.constant 2 : index
      %get3A_86 = arith.index_cast %add3A_67 : i32 to index
      %get3A_87 = memref.load %arg1[%get3A_85, %get3A_86] : memref<4x1024xi32, #tpu.memory_space<smem>>
      %get3A_88 = arith.index_cast %get3A_87 : i32 to index
      %get3A_89 = arith.constant 0 : index
      %get3A_90 = arith.constant 0 : index
      %get3A_91 = vector.load %arg3[%get3A_88, %get3A_89, %get3A_90] : memref<1793x8x128xf32, #tpu.memory_space<vmem>>, vector<1x8x128xf32>
      %get3A_92 = vector.shape_cast %get3A_91 : vector<1x8x128xf32> to vector<8x128xf32>
      %get3A_93 = arith.constant 3 : index
      %get3A_94 = arith.index_cast %add3A_67 : i32 to index
      %get3A_95 = memref.load %arg1[%get3A_93, %get3A_94] : memref<4x1024xi32, #tpu.memory_space<smem>>
      %get3A_96 = arith.index_cast %get3A_95 : i32 to index
      %get3A_97 = arith.constant 0 : index
      %get3A_98 = arith.constant 0 : index
      %get3A_99 = vector.load %arg3[%get3A_96, %get3A_97, %get3A_98] : memref<1793x8x128xf32, #tpu.memory_space<vmem>>, vector<1x8x128xf32>
      %get3A_100 = vector.shape_cast %get3A_99 : vector<1x8x128xf32> to vector<8x128xf32>
      %add3A_101 = arith.addf %get3A_92, %get3A_100 : vector<8x128xf32>
      %add3A_102 = arith.addf %add3A_84, %add3A_101 : vector<8x128xf32>
      %swap3A_103 = arith.index_cast %add3A_67 : i32 to index
      %swap3A_104 = arith.constant 0 : index
      %swap3A_105 = arith.constant 0 : index
      %swap3A_106 = vector.load %arg7[%swap3A_103, %swap3A_104, %swap3A_105] : memref<1024x8x128xf32, #tpu.memory_space<vmem>>, vector<1x8x128xf32>
      %swap3A_107 = vector.shape_cast %swap3A_106 : vector<1x8x128xf32> to vector<8x128xf32>
      %swap3A_108 = vector.shape_cast %add3A_102 : vector<8x128xf32> to vector<1x8x128xf32>
      tpu.vector_store %arg7[%swap3A_103, %swap3A_104, %swap3A_105], %swap3A_108 {strides = array<i32>} : memref<1024x8x128xf32, #tpu.memory_space<vmem>>, vector<1x8x128xf32>,
      %add3A_109 = arith.constant 2 : i32
      %add3A_110 = arith.addi %mul3A_22, %add3A_109 : i32
      %get3A_111 = arith.constant 0 : index
      %get3A_112 = arith.index_cast %add3A_110 : i32 to index
      %get3A_113 = memref.load %arg1[%get3A_111, %get3A_112] : memref<4x1024xi32, #tpu.memory_space<smem>>
      %get3A_114 = arith.index_cast %get3A_113 : i32 to index
      %get3A_115 = arith.constant 0 : index
      %get3A_116 = arith.constant 0 : index
      %get3A_117 = vector.load %arg3[%get3A_114, %get3A_115, %get3A_116] : memref<1793x8x128xf32, #tpu.memory_space<vmem>>, vector<1x8x128xf32>
      %get3A_118 = vector.shape_cast %get3A_117 : vector<1x8x128xf32> to vector<8x128xf32>
      %get3A_119 = arith.constant 1 : index
      %get3A_120 = arith.index_cast %add3A_110 : i32 to index
      %get3A_121 = memref.load %arg1[%get3A_119, %get3A_120] : memref<4x1024xi32, #tpu.memory_space<smem>>
      %get3A_122 = arith.index_cast %get3A_121 : i32 to index
      %get3A_123 = arith.constant 0 : index
      %get3A_124 = arith.constant 0 : index
      %get3A_125 = vector.load %arg3[%get3A_122, %get3A_123, %get3A_124] : memref<1793x8x128xf32, #tpu.memory_space<vmem>>, vector<1x8x128xf32>
      %get3A_126 = vector.shape_cast %get3A_125 : vector<1x8x128xf32> to vector<8x128xf32>
      %add3A_127 = arith.addf %get3A_118, %get3A_126 : vector<8x128xf32>
      %get3A_128 = arith.constant 2 : index
      %get3A_129 = arith.index_cast %add3A_110 : i32 to index
      %get3A_130 = memref.load %arg1[%get3A_128, %get3A_129] : memref<4x1024xi32, #tpu.memory_space<smem>>
      %get3A_131 = arith.index_cast %get3A_130 : i32 to index
      %get3A_132 = arith.constant 0 : index
      %get3A_133 = arith.constant 0 : index
      %get3A_134 = vector.load %arg3[%get3A_131, %get3A_132, %get3A_133] : memref<1793x8x128xf32, #tpu.memory_space<vmem>>, vector<1x8x128xf32>
      %get3A_135 = vector.shape_cast %get3A_134 : vector<1x8x128xf32> to vector<8x128xf32>
      %get3A_136 = arith.constant 3 : index
      %get3A_137 = arith.index_cast %add3A_110 : i32 to index
      %get3A_138 = memref.load %arg1[%get3A_136, %get3A_137] : memref<4x1024xi32, #tpu.memory_space<smem>>
      %get3A_139 = arith.index_cast %get3A_138 : i32 to index
      %get3A_140 = arith.constant 0 : index
      %get3A_141 = arith.constant 0 : index
      %get3A_142 = vector.load %arg3[%get3A_139, %get3A_140, %get3A_141] : memref<1793x8x128xf32, #tpu.memory_space<vmem>>, vector<1x8x128xf32>
      %get3A_143 = vector.shape_cast %get3A_142 : vector<1x8x128xf32> to vector<8x128xf32>
      %add3A_144 = arith.addf %get3A_135, %get3A_143 : vector<8x128xf32>
      %add3A_145 = arith.addf %add3A_127, %add3A_144 : vector<8x128xf32>
      %swap3A_146 = arith.index_cast %add3A_110 : i32 to index
      %swap3A_147 = arith.constant 0 : index
      %swap3A_148 = arith.constant 0 : index
      %swap3A_149 = vector.load %arg7[%swap3A_146, %swap3A_147, %swap3A_148] : memref<1024x8x128xf32, #tpu.memory_space<vmem>>, vector<1x8x128xf32>
      %swap3A_150 = vector.shape_cast %swap3A_149 : vector<1x8x128xf32> to vector<8x128xf32>
      %swap3A_151 = vector.shape_cast %add3A_145 : vector<8x128xf32> to vector<1x8x128xf32>
      tpu.vector_store %arg7[%swap3A_146, %swap3A_147, %swap3A_148], %swap3A_151 {strides = array<i32>} : memref<1024x8x128xf32, #tpu.memory_space<vmem>>, vector<1x8x128xf32>,
      %add3A_152 = arith.constant 3 : i32
      %add3A_153 = arith.addi %mul3A_22, %add3A_152 : i32
      %get3A_154 = arith.constant 0 : index
      %get3A_155 = arith.index_cast %add3A_153 : i32 to index
      %get3A_156 = memref.load %arg1[%get3A_154, %get3A_155] : memref<4x1024xi32, #tpu.memory_space<smem>>
      %get3A_157 = arith.index_cast %get3A_156 : i32 to index
      %get3A_158 = arith.constant 0 : index
      %get3A_159 = arith.constant 0 : index
      %get3A_160 = vector.load %arg3[%get3A_157, %get3A_158, %get3A_159] : memref<1793x8x128xf32, #tpu.memory_space<vmem>>, vector<1x8x128xf32>
      %get3A_161 = vector.shape_cast %get3A_160 : vector<1x8x128xf32> to vector<8x128xf32>
      %get3A_162 = arith.constant 1 : index
      %get3A_163 = arith.index_cast %add3A_153 : i32 to index
      %get3A_164 = memref.load %arg1[%get3A_162, %get3A_163] : memref<4x1024xi32, #tpu.memory_space<smem>>
      %get3A_165 = arith.index_cast %get3A_164 : i32 to index
      %get3A_166 = arith.constant 0 : index
      %get3A_167 = arith.constant 0 : index
      %get3A_168 = vector.load %arg3[%get3A_165, %get3A_166, %get3A_167] : memref<1793x8x128xf32, #tpu.memory_space<vmem>>, vector<1x8x128xf32>
      %get3A_169 = vector.shape_cast %get3A_168 : vector<1x8x128xf32> to vector<8x128xf32>
      %add3A_170 = arith.addf %get3A_161, %get3A_169 : vector<8x128xf32>
      %get3A_171 = arith.constant 2 : index
      %get3A_172 = arith.index_cast %add3A_153 : i32 to index
      %get3A_173 = memref.load %arg1[%get3A_171, %get3A_172] : memref<4x1024xi32, #tpu.memory_space<smem>>
      %get3A_174 = arith.index_cast %get3A_173 : i32 to index
      %get3A_175 = arith.constant 0 : index
      %get3A_176 = arith.constant 0 : index
      %get3A_177 = vector.load %arg3[%get3A_174, %get3A_175, %get3A_176] : memref<1793x8x128xf32, #tpu.memory_space<vmem>>, vector<1x8x128xf32>
      %get3A_178 = vector.shape_cast %get3A_177 : vector<1x8x128xf32> to vector<8x128xf32>
      %get3A_179 = arith.constant 3 : index
      %get3A_180 = arith.index_cast %add3A_153 : i32 to index
      %get3A_181 = memref.load %arg1[%get3A_179, %get3A_180] : memref<4x1024xi32, #tpu.memory_space<smem>>
      %get3A_182 = arith.index_cast %get3A_181 : i32 to index
      %get3A_183 = arith.constant 0 : index
      %get3A_184 = arith.constant 0 : index
      %get3A_185 = vector.load %arg3[%get3A_182, %get3A_183, %get3A_184] : memref<1793x8x128xf32, #tpu.memory_space<vmem>>, vector<1x8x128xf32>
      %get3A_186 = vector.shape_cast %get3A_185 : vector<1x8x128xf32> to vector<8x128xf32>
      %add3A_187 = arith.addf %get3A_178, %get3A_186 : vector<8x128xf32>
      %add3A_188 = arith.addf %add3A_170, %add3A_187 : vector<8x128xf32>
      %swap3A_189 = arith.index_cast %add3A_153 : i32 to index
      %swap3A_190 = arith.constant 0 : index
      %swap3A_191 = arith.constant 0 : index
      %swap3A_192 = vector.load %arg7[%swap3A_189, %swap3A_190, %swap3A_191] : memref<1024x8x128xf32, #tpu.memory_space<vmem>>, vector<1x8x128xf32>
      %swap3A_193 = vector.shape_cast %swap3A_192 : vector<1x8x128xf32> to vector<8x128xf32>
      %swap3A_194 = vector.shape_cast %add3A_188 : vector<8x128xf32> to vector<1x8x128xf32>
      tpu.vector_store %arg7[%swap3A_189, %swap3A_190, %swap3A_191], %swap3A_194 {strides = array<i32>} : memref<1024x8x128xf32, #tpu.memory_space<vmem>>, vector<1x8x128xf32>,
      %add3A_195 = arith.constant 4 : i32
      %add3A_196 = arith.addi %mul3A_22, %add3A_195 : i32
      %get3A_197 = arith.constant 0 : index
      %get3A_198 = arith.index_cast %add3A_196 : i32 to index
      %get3A_199 = memref.load %arg1[%get3A_197, %get3A_198] : memref<4x1024xi32, #tpu.memory_space<smem>>
      %get3A_200 = arith.index_cast %get3A_199 : i32 to index
      %get3A_201 = arith.constant 0 : index
      %get3A_202 = arith.constant 0 : index
      %get3A_203 = vector.load %arg3[%get3A_200, %get3A_201, %get3A_202] : memref<1793x8x128xf32, #tpu.memory_space<vmem>>, vector<1x8x128xf32>
      %get3A_204 = vector.shape_cast %get3A_203 : vector<1x8x128xf32> to vector<8x128xf32>
      %get3A_205 = arith.constant 1 : index
      %get3A_206 = arith.index_cast %add3A_196 : i32 to index
      %get3A_207 = memref.load %arg1[%get3A_205, %get3A_206] : memref<4x1024xi32, #tpu.memory_space<smem>>
      %get3A_208 = arith.index_cast %get3A_207 : i32 to index
      %get3A_209 = arith.constant 0 : index
      %get3A_210 = arith.constant 0 : index
      %get3A_211 = vector.load %arg3[%get3A_208, %get3A_209, %get3A_210] : memref<1793x8x128xf32, #tpu.memory_space<vmem>>, vector<1x8x128xf32>
      %get3A_212 = vector.shape_cast %get3A_211 : vector<1x8x128xf32> to vector<8x128xf32>
      %add3A_213 = arith.addf %get3A_204, %get3A_212 : vector<8x128xf32>
      %get3A_214 = arith.constant 2 : index
      %get3A_215 = arith.index_cast %add3A_196 : i32 to index
      %get3A_216 = memref.load %arg1[%get3A_214, %get3A_215] : memref<4x1024xi32, #tpu.memory_space<smem>>
      %get3A_217 = arith.index_cast %get3A_216 : i32 to index
      %get3A_218 = arith.constant 0 : index
      %get3A_219 = arith.constant 0 : index
      %get3A_220 = vector.load %arg3[%get3A_217, %get3A_218, %get3A_219] : memref<1793x8x128xf32, #tpu.memory_space<vmem>>, vector<1x8x128xf32>
      %get3A_221 = vector.shape_cast %get3A_220 : vector<1x8x128xf32> to vector<8x128xf32>
      %get3A_222 = arith.constant 3 : index
      %get3A_223 = arith.index_cast %add3A_196 : i32 to index
      %get3A_224 = memref.load %arg1[%get3A_222, %get3A_223] : memref<4x1024xi32, #tpu.memory_space<smem>>
      %get3A_225 = arith.index_cast %get3A_224 : i32 to index
      %get3A_226 = arith.constant 0 : index
      %get3A_227 = arith.constant 0 : index
      %get3A_228 = vector.load %arg3[%get3A_225, %get3A_226, %get3A_227] : memref<1793x8x128xf32, #tpu.memory_space<vmem>>, vector<1x8x128xf32>
      %get3A_229 = vector.shape_cast %get3A_228 : vector<1x8x128xf32> to vector<8x128xf32>
      %add3A_230 = arith.addf %get3A_221, %get3A_229 : vector<8x128xf32>
      %add3A_231 = arith.addf %add3A_213, %add3A_230 : vector<8x128xf32>
      %swap3A_232 = arith.index_cast %add3A_196 : i32 to index
      %swap3A_233 = arith.constant 0 : index
      %swap3A_234 = arith.constant 0 : index
      %swap3A_235 = vector.load %arg7[%swap3A_232, %swap3A_233, %swap3A_234] : memref<1024x8x128xf32, #tpu.memory_space<vmem>>, vector<1x8x128xf32>
      %swap3A_236 = vector.shape_cast %swap3A_235 : vector<1x8x128xf32> to vector<8x128xf32>
      %swap3A_237 = vector.shape_cast %add3A_231 : vector<8x128xf32> to vector<1x8x128xf32>
      tpu.vector_store %arg7[%swap3A_232, %swap3A_233, %swap3A_234], %swap3A_237 {strides = array<i32>} : memref<1024x8x128xf32, #tpu.memory_space<vmem>>, vector<1x8x128xf32>,
      %add3A_238 = arith.constant 5 : i32
      %add3A_239 = arith.addi %mul3A_22, %add3A_238 : i32
      %get3A_240 = arith.constant 0 : index
      %get3A_241 = arith.index_cast %add3A_239 : i32 to index
      %get3A_242 = memref.load %arg1[%get3A_240, %get3A_241] : memref<4x1024xi32, #tpu.memory_space<smem>>
      %get3A_243 = arith.index_cast %get3A_242 : i32 to index
      %get3A_244 = arith.constant 0 : index
      %get3A_245 = arith.constant 0 : index
      %get3A_246 = vector.load %arg3[%get3A_243, %get3A_244, %get3A_245] : memref<1793x8x128xf32, #tpu.memory_space<vmem>>, vector<1x8x128xf32>
      %get3A_247 = vector.shape_cast %get3A_246 : vector<1x8x128xf32> to vector<8x128xf32>
      %get3A_248 = arith.constant 1 : index
      %get3A_249 = arith.index_cast %add3A_239 : i32 to index
      %get3A_250 = memref.load %arg1[%get3A_248, %get3A_249] : memref<4x1024xi32, #tpu.memory_space<smem>>
      %get3A_251 = arith.index_cast %get3A_250 : i32 to index
      %get3A_252 = arith.constant 0 : index
      %get3A_253 = arith.constant 0 : index
      %get3A_254 = vector.load %arg3[%get3A_251, %get3A_252, %get3A_253] : memref<1793x8x128xf32, #tpu.memory_space<vmem>>, vector<1x8x128xf32>
      %get3A_255 = vector.shape_cast %get3A_254 : vector<1x8x128xf32> to vector<8x128xf32>
      %add3A_256 = arith.addf %get3A_247, %get3A_255 : vector<8x128xf32>
      %get3A_257 = arith.constant 2 : index
      %get3A_258 = arith.index_cast %add3A_239 : i32 to index
      %get3A_259 = memref.load %arg1[%get3A_257, %get3A_258] : memref<4x1024xi32, #tpu.memory_space<smem>>
      %get3A_260 = arith.index_cast %get3A_259 : i32 to index
      %get3A_261 = arith.constant 0 : index
      %get3A_262 = arith.constant 0 : index
      %get3A_263 = vector.load %arg3[%get3A_260, %get3A_261, %get3A_262] : memref<1793x8x128xf32, #tpu.memory_space<vmem>>, vector<1x8x128xf32>
      %get3A_264 = vector.shape_cast %get3A_263 : vector<1x8x128xf32> to vector<8x128xf32>
      %get3A_265 = arith.constant 3 : index
      %get3A_266 = arith.index_cast %add3A_239 : i32 to index
      %get3A_267 = memref.load %arg1[%get3A_265, %get3A_266] : memref<4x1024xi32, #tpu.memory_space<smem>>
      %get3A_268 = arith.index_cast %get3A_267 : i32 to index
      %get3A_269 = arith.constant 0 : index
      %get3A_270 = arith.constant 0 : index
      %get3A_271 = vector.load %arg3[%get3A_268, %get3A_269, %get3A_270] : memref<1793x8x128xf32, #tpu.memory_space<vmem>>, vector<1x8x128xf32>
      %get3A_272 = vector.shape_cast %get3A_271 : vector<1x8x128xf32> to vector<8x128xf32>
      %add3A_273 = arith.addf %get3A_264, %get3A_272 : vector<8x128xf32>
      %add3A_274 = arith.addf %add3A_256, %add3A_273 : vector<8x128xf32>
      %swap3A_275 = arith.index_cast %add3A_239 : i32 to index
      %swap3A_276 = arith.constant 0 : index
      %swap3A_277 = arith.constant 0 : index
      %swap3A_278 = vector.load %arg7[%swap3A_275, %swap3A_276, %swap3A_277] : memref<1024x8x128xf32, #tpu.memory_space<vmem>>, vector<1x8x128xf32>
      %swap3A_279 = vector.shape_cast %swap3A_278 : vector<1x8x128xf32> to vector<8x128xf32>
      %swap3A_280 = vector.shape_cast %add3A_274 : vector<8x128xf32> to vector<1x8x128xf32>
      tpu.vector_store %arg7[%swap3A_275, %swap3A_276, %swap3A_277], %swap3A_280 {strides = array<i32>} : memref<1024x8x128xf32, #tpu.memory_space<vmem>>, vector<1x8x128xf32>,
      %add3A_281 = arith.constant 6 : i32
      %add3A_282 = arith.addi %mul3A_22, %add3A_281 : i32
      %get3A_283 = arith.constant 0 : index
      %get3A_284 = arith.index_cast %add3A_282 : i32 to index
      %get3A_285 = memref.load %arg1[%get3A_283, %get3A_284] : memref<4x1024xi32, #tpu.memory_space<smem>>
      %get3A_286 = arith.index_cast %get3A_285 : i32 to index
      %get3A_287 = arith.constant 0 : index
      %get3A_288 = arith.constant 0 : index
      %get3A_289 = vector.load %arg3[%get3A_286, %get3A_287, %get3A_288] : memref<1793x8x128xf32, #tpu.memory_space<vmem>>, vector<1x8x128xf32>
      %get3A_290 = vector.shape_cast %get3A_289 : vector<1x8x128xf32> to vector<8x128xf32>
      %get3A_291 = arith.constant 1 : index
      %get3A_292 = arith.index_cast %add3A_282 : i32 to index
      %get3A_293 = memref.load %arg1[%get3A_291, %get3A_292] : memref<4x1024xi32, #tpu.memory_space<smem>>
      %get3A_294 = arith.index_cast %get3A_293 : i32 to index
      %get3A_295 = arith.constant 0 : index
      %get3A_296 = arith.constant 0 : index
      %get3A_297 = vector.load %arg3[%get3A_294, %get3A_295, %get3A_296] : memref<1793x8x128xf32, #tpu.memory_space<vmem>>, vector<1x8x128xf32>
      %get3A_298 = vector.shape_cast %get3A_297 : vector<1x8x128xf32> to vector<8x128xf32>
      %add3A_299 = arith.addf %get3A_290, %get3A_298 : vector<8x128xf32>
      %get3A_300 = arith.constant 2 : index
      %get3A_301 = arith.index_cast %add3A_282 : i32 to index
      %get3A_302 = memref.load %arg1[%get3A_300, %get3A_301] : memref<4x1024xi32, #tpu.memory_space<smem>>
      %get3A_303 = arith.index_cast %get3A_302 : i32 to index
      %get3A_304 = arith.constant 0 : index
      %get3A_305 = arith.constant 0 : index
      %get3A_306 = vector.load %arg3[%get3A_303, %get3A_304, %get3A_305] : memref<1793x8x128xf32, #tpu.memory_space<vmem>>, vector<1x8x128xf32>
      %get3A_307 = vector.shape_cast %get3A_306 : vector<1x8x128xf32> to vector<8x128xf32>
      %get3A_308 = arith.constant 3 : index
      %get3A_309 = arith.index_cast %add3A_282 : i32 to index
      %get3A_310 = memref.load %arg1[%get3A_308, %get3A_309] : memref<4x1024xi32, #tpu.memory_space<smem>>
      %get3A_311 = arith.index_cast %get3A_310 : i32 to index
      %get3A_312 = arith.constant 0 : index
      %get3A_313 = arith.constant 0 : index
      %get3A_314 = vector.load %arg3[%get3A_311, %get3A_312, %get3A_313] : memref<1793x8x128xf32, #tpu.memory_space<vmem>>, vector<1x8x128xf32>
      %get3A_315 = vector.shape_cast %get3A_314 : vector<1x8x128xf32> to vector<8x128xf32>
      %add3A_316 = arith.addf %get3A_307, %get3A_315 : vector<8x128xf32>
      %add3A_317 = arith.addf %add3A_299, %add3A_316 : vector<8x128xf32>
      %swap3A_318 = arith.index_cast %add3A_282 : i32 to index
      %swap3A_319 = arith.constant 0 : index
      %swap3A_320 = arith.constant 0 : index
      %swap3A_321 = vector.load %arg7[%swap3A_318, %swap3A_319, %swap3A_320] : memref<1024x8x128xf32, #tpu.memory_space<vmem>>, vector<1x8x128xf32>
      %swap3A_322 = vector.shape_cast %swap3A_321 : vector<1x8x128xf32> to vector<8x128xf32>
      %swap3A_323 = vector.shape_cast %add3A_317 : vector<8x128xf32> to vector<1x8x128xf32>
      tpu.vector_store %arg7[%swap3A_318, %swap3A_319, %swap3A_320], %swap3A_323 {strides = array<i32>} : memref<1024x8x128xf32, #tpu.memory_space<vmem>>, vector<1x8x128xf32>,
      %add3A_324 = arith.constant 7 : i32
      %add3A_325 = arith.addi %mul3A_22, %add3A_324 : i32
      %get3A_326 = arith.constant 0 : index
      %get3A_327 = arith.index_cast %add3A_325 : i32 to index
      %get3A_328 = memref.load %arg1[%get3A_326, %get3A_327] : memref<4x1024xi32, #tpu.memory_space<smem>>
      %get3A_329 = arith.index_cast %get3A_328 : i32 to index
      %get3A_330 = arith.constant 0 : index
      %get3A_331 = arith.constant 0 : index
      %get3A_332 = vector.load %arg3[%get3A_329, %get3A_330, %get3A_331] : memref<1793x8x128xf32, #tpu.memory_space<vmem>>, vector<1x8x128xf32>
      %get3A_333 = vector.shape_cast %get3A_332 : vector<1x8x128xf32> to vector<8x128xf32>
      %get3A_334 = arith.constant 1 : index
      %get3A_335 = arith.index_cast %add3A_325 : i32 to index
      %get3A_336 = memref.load %arg1[%get3A_334, %get3A_335] : memref<4x1024xi32, #tpu.memory_space<smem>>
      %get3A_337 = arith.index_cast %get3A_336 : i32 to index
      %get3A_338 = arith.constant 0 : index
      %get3A_339 = arith.constant 0 : index
      %get3A_340 = vector.load %arg3[%get3A_337, %get3A_338, %get3A_339] : memref<1793x8x128xf32, #tpu.memory_space<vmem>>, vector<1x8x128xf32>
      %get3A_341 = vector.shape_cast %get3A_340 : vector<1x8x128xf32> to vector<8x128xf32>
      %add3A_342 = arith.addf %get3A_333, %get3A_341 : vector<8x128xf32>
      %get3A_343 = arith.constant 2 : index
      %get3A_344 = arith.index_cast %add3A_325 : i32 to index
      %get3A_345 = memref.load %arg1[%get3A_343, %get3A_344] : memref<4x1024xi32, #tpu.memory_space<smem>>
      %get3A_346 = arith.index_cast %get3A_345 : i32 to index
      %get3A_347 = arith.constant 0 : index
      %get3A_348 = arith.constant 0 : index
      %get3A_349 = vector.load %arg3[%get3A_346, %get3A_347, %get3A_348] : memref<1793x8x128xf32, #tpu.memory_space<vmem>>, vector<1x8x128xf32>
      %get3A_350 = vector.shape_cast %get3A_349 : vector<1x8x128xf32> to vector<8x128xf32>
      %get3A_351 = arith.constant 3 : index
      %get3A_352 = arith.index_cast %add3A_325 : i32 to index
      %get3A_353 = memref.load %arg1[%get3A_351, %get3A_352] : memref<4x1024xi32, #tpu.memory_space<smem>>
      %get3A_354 = arith.index_cast %get3A_353 : i32 to index
      %get3A_355 = arith.constant 0 : index
      %get3A_356 = arith.constant 0 : index
      %get3A_357 = vector.load %arg3[%get3A_354, %get3A_355, %get3A_356] : memref<1793x8x128xf32, #tpu.memory_space<vmem>>, vector<1x8x128xf32>
      %get3A_358 = vector.shape_cast %get3A_357 : vector<1x8x128xf32> to vector<8x128xf32>
      %add3A_359 = arith.addf %get3A_350, %get3A_358 : vector<8x128xf32>
      %add3A_360 = arith.addf %add3A_342, %add3A_359 : vector<8x128xf32>
      %swap3A_361 = arith.index_cast %add3A_325 : i32 to index
      %swap3A_362 = arith.constant 0 : index
      %swap3A_363 = arith.constant 0 : index
      %swap3A_364 = vector.load %arg7[%swap3A_361, %swap3A_362, %swap3A_363] : memref<1024x8x128xf32, #tpu.memory_space<vmem>>, vector<1x8x128xf32>
      %swap3A_365 = vector.shape_cast %swap3A_364 : vector<1x8x128xf32> to vector<8x128xf32>
      %swap3A_366 = vector.shape_cast %add3A_360 : vector<8x128xf32> to vector<1x8x128xf32>
      tpu.vector_store %arg7[%swap3A_361, %swap3A_362, %swap3A_363], %swap3A_366 {strides = array<i32>} : memref<1024x8x128xf32, #tpu.memory_space<vmem>>, vector<1x8x128xf32>,
      %add3A_367 = arith.constant 8 : i32
      %add3A_368 = arith.addi %mul3A_22, %add3A_367 : i32
      %get3A_369 = arith.constant 0 : index
      %get3A_370 = arith.index_cast %add3A_368 : i32 to index
      %get3A_371 = memref.load %arg1[%get3A_369, %get3A_370] : memref<4x1024xi32, #tpu.memory_space<smem>>
      %get3A_372 = arith.index_cast %get3A_371 : i32 to index
      %get3A_373 = arith.constant 0 : index
      %get3A_374 = arith.constant 0 : index
      %get3A_375 = vector.load %arg3[%get3A_372, %get3A_373, %get3A_374] : memref<1793x8x128xf32, #tpu.memory_space<vmem>>, vector<1x8x128xf32>
      %get3A_376 = vector.shape_cast %get3A_375 : vector<1x8x128xf32> to vector<8x128xf32>
      %get3A_377 = arith.constant 1 : index
      %get3A_378 = arith.index_cast %add3A_368 : i32 to index
      %get3A_379 = memref.load %arg1[%get3A_377, %get3A_378] : memref<4x1024xi32, #tpu.memory_space<smem>>
      %get3A_380 = arith.index_cast %get3A_379 : i32 to index
      %get3A_381 = arith.constant 0 : index
      %get3A_382 = arith.constant 0 : index
      %get3A_383 = vector.load %arg3[%get3A_380, %get3A_381, %get3A_382] : memref<1793x8x128xf32, #tpu.memory_space<vmem>>, vector<1x8x128xf32>
      %get3A_384 = vector.shape_cast %get3A_383 : vector<1x8x128xf32> to vector<8x128xf32>
      %add3A_385 = arith.addf %get3A_376, %get3A_384 : vector<8x128xf32>
      %get3A_386 = arith.constant 2 : index
      %get3A_387 = arith.index_cast %add3A_368 : i32 to index
      %get3A_388 = memref.load %arg1[%get3A_386, %get3A_387] : memref<4x1024xi32, #tpu.memory_space<smem>>
      %get3A_389 = arith.index_cast %get3A_388 : i32 to index
      %get3A_390 = arith.constant 0 : index
      %get3A_391 = arith.constant 0 : index
      %get3A_392 = vector.load %arg3[%get3A_389, %get3A_390, %get3A_391] : memref<1793x8x128xf32, #tpu.memory_space<vmem>>, vector<1x8x128xf32>
      %get3A_393 = vector.shape_cast %get3A_392 : vector<1x8x128xf32> to vector<8x128xf32>
      %get3A_394 = arith.constant 3 : index
      %get3A_395 = arith.index_cast %add3A_368 : i32 to index
      %get3A_396 = memref.load %arg1[%get3A_394, %get3A_395] : memref<4x1024xi32, #tpu.memory_space<smem>>
      %get3A_397 = arith.index_cast %get3A_396 : i32 to index
      %get3A_398 = arith.constant 0 : index
      %get3A_399 = arith.constant 0 : index
      %get3A_400 = vector.load %arg3[%get3A_397, %get3A_398, %get3A_399] : memref<1793x8x128xf32, #tpu.memory_space<vmem>>, vector<1x8x128xf32>
      %get3A_401 = vector.shape_cast %get3A_400 : vector<1x8x128xf32> to vector<8x128xf32>
      %add3A_402 = arith.addf %get3A_393, %get3A_401 : vector<8x128xf32>
      %add3A_403 = arith.addf %add3A_385, %add3A_402 : vector<8x128xf32>
      %swap3A_404 = arith.index_cast %add3A_368 : i32 to index
      %swap3A_405 = arith.constant 0 : index
      %swap3A_406 = arith.constant 0 : index
      %swap3A_407 = vector.load %arg7[%swap3A_404, %swap3A_405, %swap3A_406] : memref<1024x8x128xf32, #tpu.memory_space<vmem>>, vector<1x8x128xf32>
      %swap3A_408 = vector.shape_cast %swap3A_407 : vector<1x8x128xf32> to vector<8x128xf32>
      %swap3A_409 = vector.shape_cast %add3A_403 : vector<8x128xf32> to vector<1x8x128xf32>
      tpu.vector_store %arg7[%swap3A_404, %swap3A_405, %swap3A_406], %swap3A_409 {strides = array<i32>} : memref<1024x8x128xf32, #tpu.memory_space<vmem>>, vector<1x8x128xf32>,
      %add3A_410 = arith.constant 9 : i32
      %add3A_411 = arith.addi %mul3A_22, %add3A_410 : i32
      %get3A_412 = arith.constant 0 : index
      %get3A_413 = arith.index_cast %add3A_411 : i32 to index
      %get3A_414 = memref.load %arg1[%get3A_412, %get3A_413] : memref<4x1024xi32, #tpu.memory_space<smem>>
      %get3A_415 = arith.index_cast %get3A_414 : i32 to index
      %get3A_416 = arith.constant 0 : index
      %get3A_417 = arith.constant 0 : index
      %get3A_418 = vector.load %arg3[%get3A_415, %get3A_416, %get3A_417] : memref<1793x8x128xf32, #tpu.memory_space<vmem>>, vector<1x8x128xf32>
      %get3A_419 = vector.shape_cast %get3A_418 : vector<1x8x128xf32> to vector<8x128xf32>
      %get3A_420 = arith.constant 1 : index
      %get3A_421 = arith.index_cast %add3A_411 : i32 to index
      %get3A_422 = memref.load %arg1[%get3A_420, %get3A_421] : memref<4x1024xi32, #tpu.memory_space<smem>>
      %get3A_423 = arith.index_cast %get3A_422 : i32 to index
      %get3A_424 = arith.constant 0 : index
      %get3A_425 = arith.constant 0 : index
      %get3A_426 = vector.load %arg3[%get3A_423, %get3A_424, %get3A_425] : memref<1793x8x128xf32, #tpu.memory_space<vmem>>, vector<1x8x128xf32>
      %get3A_427 = vector.shape_cast %get3A_426 : vector<1x8x128xf32> to vector<8x128xf32>
      %add3A_428 = arith.addf %get3A_419, %get3A_427 : vector<8x128xf32>
      %get3A_429 = arith.constant 2 : index
      %get3A_430 = arith.index_cast %add3A_411 : i32 to index
      %get3A_431 = memref.load %arg1[%get3A_429, %get3A_430] : memref<4x1024xi32, #tpu.memory_space<smem>>
      %get3A_432 = arith.index_cast %get3A_431 : i32 to index
      %get3A_433 = arith.constant 0 : index
      %get3A_434 = arith.constant 0 : index
      %get3A_435 = vector.load %arg3[%get3A_432, %get3A_433, %get3A_434] : memref<1793x8x128xf32, #tpu.memory_space<vmem>>, vector<1x8x128xf32>
      %get3A_436 = vector.shape_cast %get3A_435 : vector<1x8x128xf32> to vector<8x128xf32>
      %get3A_437 = arith.constant 3 : index
      %get3A_438 = arith.index_cast %add3A_411 : i32 to index
      %get3A_439 = memref.load %arg1[%get3A_437, %get3A_438] : memref<4x1024xi32, #tpu.memory_space<smem>>
      %get3A_440 = arith.index_cast %get3A_439 : i32 to index
      %get3A_441 = arith.constant 0 : index
      %get3A_442 = arith.constant 0 : index
      %get3A_443 = vector.load %arg3[%get3A_440, %get3A_441, %get3A_442] : memref<1793x8x128xf32, #tpu.memory_space<vmem>>, vector<1x8x128xf32>
      %get3A_444 = vector.shape_cast %get3A_443 : vector<1x8x128xf32> to vector<8x128xf32>
      %add3A_445 = arith.addf %get3A_436, %get3A_444 : vector<8x128xf32>
      %add3A_446 = arith.addf %add3A_428, %add3A_445 : vector<8x128xf32>
      %swap3A_447 = arith.index_cast %add3A_411 : i32 to index
      %swap3A_448 = arith.constant 0 : index
      %swap3A_449 = arith.constant 0 : index
      %swap3A_450 = vector.load %arg7[%swap3A_447, %swap3A_448, %swap3A_449] : memref<1024x8x128xf32, #tpu.memory_space<vmem>>, vector<1x8x128xf32>
      %swap3A_451 = vector.shape_cast %swap3A_450 : vector<1x8x128xf32> to vector<8x128xf32>
      %swap3A_452 = vector.shape_cast %add3A_446 : vector<8x128xf32> to vector<1x8x128xf32>
      tpu.vector_store %arg7[%swap3A_447, %swap3A_448, %swap3A_449], %swap3A_452 {strides = array<i32>} : memref<1024x8x128xf32, #tpu.memory_space<vmem>>, vector<1x8x128xf32>,
      %add3A_453 = arith.constant 10 : i32
      %add3A_454 = arith.addi %mul3A_22, %add3A_453 : i32
      %get3A_455 = arith.constant 0 : index
      %get3A_456 = arith.index_cast %add3A_454 : i32 to index
      %get3A_457 = memref.load %arg1[%get3A_455, %get3A_456] : memref<4x1024xi32, #tpu.memory_space<smem>>
      %get3A_458 = arith.index_cast %get3A_457 : i32 to index
      %get3A_459 = arith.constant 0 : index
      %get3A_460 = arith.constant 0 : index
      %get3A_461 = vector.load %arg3[%get3A_458, %get3A_459, %get3A_460] : memref<1793x8x128xf32, #tpu.memory_space<vmem>>, vector<1x8x128xf32>
      %get3A_462 = vector.shape_cast %get3A_461 : vector<1x8x128xf32> to vector<8x128xf32>
      %get3A_463 = arith.constant 1 : index
      %get3A_464 = arith.index_cast %add3A_454 : i32 to index
      %get3A_465 = memref.load %arg1[%get3A_463, %get3A_464] : memref<4x1024xi32, #tpu.memory_space<smem>>
      %get3A_466 = arith.index_cast %get3A_465 : i32 to index
      %get3A_467 = arith.constant 0 : index
      %get3A_468 = arith.constant 0 : index
      %get3A_469 = vector.load %arg3[%get3A_466, %get3A_467, %get3A_468] : memref<1793x8x128xf32, #tpu.memory_space<vmem>>, vector<1x8x128xf32>
      %get3A_470 = vector.shape_cast %get3A_469 : vector<1x8x128xf32> to vector<8x128xf32>
      %add3A_471 = arith.addf %get3A_462, %get3A_470 : vector<8x128xf32>
      %get3A_472 = arith.constant 2 : index
      %get3A_473 = arith.index_cast %add3A_454 : i32 to index
      %get3A_474 = memref.load %arg1[%get3A_472, %get3A_473] : memref<4x1024xi32, #tpu.memory_space<smem>>
      %get3A_475 = arith.index_cast %get3A_474 : i32 to index
      %get3A_476 = arith.constant 0 : index
      %get3A_477 = arith.constant 0 : index
      %get3A_478 = vector.load %arg3[%get3A_475, %get3A_476, %get3A_477] : memref<1793x8x128xf32, #tpu.memory_space<vmem>>, vector<1x8x128xf32>
      %get3A_479 = vector.shape_cast %get3A_478 : vector<1x8x128xf32> to vector<8x128xf32>
      %get3A_480 = arith.constant 3 : index
      %get3A_481 = arith.index_cast %add3A_454 : i32 to index
      %get3A_482 = memref.load %arg1[%get3A_480, %get3A_481] : memref<4x1024xi32, #tpu.memory_space<smem>>
      %get3A_483 = arith.index_cast %get3A_482 : i32 to index
      %get3A_484 = arith.constant 0 : index
      %get3A_485 = arith.constant 0 : index
      %get3A_486 = vector.load %arg3[%get3A_483, %get3A_484, %get3A_485] : memref<1793x8x128xf32, #tpu.memory_space<vmem>>, vector<1x8x128xf32>
      %get3A_487 = vector.shape_cast %get3A_486 : vector<1x8x128xf32> to vector<8x128xf32>
      %add3A_488 = arith.addf %get3A_479, %get3A_487 : vector<8x128xf32>
      %add3A_489 = arith.addf %add3A_471, %add3A_488 : vector<8x128xf32>
      %swap3A_490 = arith.index_cast %add3A_454 : i32 to index
      %swap3A_491 = arith.constant 0 : index
      %swap3A_492 = arith.constant 0 : index
      %swap3A_493 = vector.load %arg7[%swap3A_490, %swap3A_491, %swap3A_492] : memref<1024x8x128xf32, #tpu.memory_space<vmem>>, vector<1x8x128xf32>
      %swap3A_494 = vector.shape_cast %swap3A_493 : vector<1x8x128xf32> to vector<8x128xf32>
      %swap3A_495 = vector.shape_cast %add3A_489 : vector<8x128xf32> to vector<1x8x128xf32>
      tpu.vector_store %arg7[%swap3A_490, %swap3A_491, %swap3A_492], %swap3A_495 {strides = array<i32>} : memref<1024x8x128xf32, #tpu.memory_space<vmem>>, vector<1x8x128xf32>,
      %add3A_496 = arith.constant 11 : i32
      %add3A_497 = arith.addi %mul3A_22, %add3A_496 : i32
      %get3A_498 = arith.constant 0 : index
      %get3A_499 = arith.index_cast %add3A_497 : i32 to index
      %get3A_500 = memref.load %arg1[%get3A_498, %get3A_499] : memref<4x1024xi32, #tpu.memory_space<smem>>
      %get3A_501 = arith.index_cast %get3A_500 : i32 to index
      %get3A_502 = arith.constant 0 : index
      %get3A_503 = arith.constant 0 : index
      %get3A_504 = vector.load %arg3[%get3A_501, %get3A_502, %get3A_503] : memref<1793x8x128xf32, #tpu.memory_space<vmem>>, vector<1x8x128xf32>
      %get3A_505 = vector.shape_cast %get3A_504 : vector<1x8x128xf32> to vector<8x128xf32>
      %get3A_506 = arith.constant 1 : index
      %get3A_507 = arith.index_cast %add3A_497 : i32 to index
      %get3A_508 = memref.load %arg1[%get3A_506, %get3A_507] : memref<4x1024xi32, #tpu.memory_space<smem>>
      %get3A_509 = arith.index_cast %get3A_508 : i32 to index
      %get3A_510 = arith.constant 0 : index
      %get3A_511 = arith.constant 0 : index
      %get3A_512 = vector.load %arg3[%get3A_509, %get3A_510, %get3A_511] : memref<1793x8x128xf32, #tpu.memory_space<vmem>>, vector<1x8x128xf32>
      %get3A_513 = vector.shape_cast %get3A_512 : vector<1x8x128xf32> to vector<8x128xf32>
      %add3A_514 = arith.addf %get3A_505, %get3A_513 : vector<8x128xf32>
      %get3A_515 = arith.constant 2 : index
      %get3A_516 = arith.index_cast %add3A_497 : i32 to index
      %get3A_517 = memref.load %arg1[%get3A_515, %get3A_516] : memref<4x1024xi32, #tpu.memory_space<smem>>
      %get3A_518 = arith.index_cast %get3A_517 : i32 to index
      %get3A_519 = arith.constant 0 : index
      %get3A_520 = arith.constant 0 : index
      %get3A_521 = vector.load %arg3[%get3A_518, %get3A_519, %get3A_520] : memref<1793x8x128xf32, #tpu.memory_space<vmem>>, vector<1x8x128xf32>
      %get3A_522 = vector.shape_cast %get3A_521 : vector<1x8x128xf32> to vector<8x128xf32>
      %get3A_523 = arith.constant 3 : index
      %get3A_524 = arith.index_cast %add3A_497 : i32 to index
      %get3A_525 = memref.load %arg1[%get3A_523, %get3A_524] : memref<4x1024xi32, #tpu.memory_space<smem>>
      %get3A_526 = arith.index_cast %get3A_525 : i32 to index
      %get3A_527 = arith.constant 0 : index
      %get3A_528 = arith.constant 0 : index
      %get3A_529 = vector.load %arg3[%get3A_526, %get3A_527, %get3A_528] : memref<1793x8x128xf32, #tpu.memory_space<vmem>>, vector<1x8x128xf32>
      %get3A_530 = vector.shape_cast %get3A_529 : vector<1x8x128xf32> to vector<8x128xf32>
      %add3A_531 = arith.addf %get3A_522, %get3A_530 : vector<8x128xf32>
      %add3A_532 = arith.addf %add3A_514, %add3A_531 : vector<8x128xf32>
      %swap3A_533 = arith.index_cast %add3A_497 : i32 to index
      %swap3A_534 = arith.constant 0 : index
      %swap3A_535 = arith.constant 0 : index
      %swap3A_536 = vector.load %arg7[%swap3A_533, %swap3A_534, %swap3A_535] : memref<1024x8x128xf32, #tpu.memory_space<vmem>>, vector<1x8x128xf32>
      %swap3A_537 = vector.shape_cast %swap3A_536 : vector<1x8x128xf32> to vector<8x128xf32>
      %swap3A_538 = vector.shape_cast %add3A_532 : vector<8x128xf32> to vector<1x8x128xf32>
      tpu.vector_store %arg7[%swap3A_533, %swap3A_534, %swap3A_535], %swap3A_538 {strides = array<i32>} : memref<1024x8x128xf32, #tpu.memory_space<vmem>>, vector<1x8x128xf32>,
      %add3A_539 = arith.constant 12 : i32
      %add3A_540 = arith.addi %mul3A_22, %add3A_539 : i32
      %get3A_541 = arith.constant 0 : index
      %get3A_542 = arith.index_cast %add3A_540 : i32 to index
      %get3A_543 = memref.load %arg1[%get3A_541, %get3A_542] : memref<4x1024xi32, #tpu.memory_space<smem>>
      %get3A_544 = arith.index_cast %get3A_543 : i32 to index
      %get3A_545 = arith.constant 0 : index
      %get3A_546 = arith.constant 0 : index
      %get3A_547 = vector.load %arg3[%get3A_544, %get3A_545, %get3A_546] : memref<1793x8x128xf32, #tpu.memory_space<vmem>>, vector<1x8x128xf32>
      %get3A_548 = vector.shape_cast %get3A_547 : vector<1x8x128xf32> to vector<8x128xf32>
      %get3A_549 = arith.constant 1 : index
      %get3A_550 = arith.index_cast %add3A_540 : i32 to index
      %get3A_551 = memref.load %arg1[%get3A_549, %get3A_550] : memref<4x1024xi32, #tpu.memory_space<smem>>
      %get3A_552 = arith.index_cast %get3A_551 : i32 to index
      %get3A_553 = arith.constant 0 : index
      %get3A_554 = arith.constant 0 : index
      %get3A_555 = vector.load %arg3[%get3A_552, %get3A_553, %get3A_554] : memref<1793x8x128xf32, #tpu.memory_space<vmem>>, vector<1x8x128xf32>
      %get3A_556 = vector.shape_cast %get3A_555 : vector<1x8x128xf32> to vector<8x128xf32>
      %add3A_557 = arith.addf %get3A_548, %get3A_556 : vector<8x128xf32>
      %get3A_558 = arith.constant 2 : index
      %get3A_559 = arith.index_cast %add3A_540 : i32 to index
      %get3A_560 = memref.load %arg1[%get3A_558, %get3A_559] : memref<4x1024xi32, #tpu.memory_space<smem>>
      %get3A_561 = arith.index_cast %get3A_560 : i32 to index
      %get3A_562 = arith.constant 0 : index
      %get3A_563 = arith.constant 0 : index
      %get3A_564 = vector.load %arg3[%get3A_561, %get3A_562, %get3A_563] : memref<1793x8x128xf32, #tpu.memory_space<vmem>>, vector<1x8x128xf32>
      %get3A_565 = vector.shape_cast %get3A_564 : vector<1x8x128xf32> to vector<8x128xf32>
      %get3A_566 = arith.constant 3 : index
      %get3A_567 = arith.index_cast %add3A_540 : i32 to index
      %get3A_568 = memref.load %arg1[%get3A_566, %get3A_567] : memref<4x1024xi32, #tpu.memory_space<smem>>
      %get3A_569 = arith.index_cast %get3A_568 : i32 to index
      %get3A_570 = arith.constant 0 : index
      %get3A_571 = arith.constant 0 : index
      %get3A_572 = vector.load %arg3[%get3A_569, %get3A_570, %get3A_571] : memref<1793x8x128xf32, #tpu.memory_space<vmem>>, vector<1x8x128xf32>
      %get3A_573 = vector.shape_cast %get3A_572 : vector<1x8x128xf32> to vector<8x128xf32>
      %add3A_574 = arith.addf %get3A_565, %get3A_573 : vector<8x128xf32>
      %add3A_575 = arith.addf %add3A_557, %add3A_574 : vector<8x128xf32>
      %swap3A_576 = arith.index_cast %add3A_540 : i32 to index
      %swap3A_577 = arith.constant 0 : index
      %swap3A_578 = arith.constant 0 : index
      %swap3A_579 = vector.load %arg7[%swap3A_576, %swap3A_577, %swap3A_578] : memref<1024x8x128xf32, #tpu.memory_space<vmem>>, vector<1x8x128xf32>
      %swap3A_580 = vector.shape_cast %swap3A_579 : vector<1x8x128xf32> to vector<8x128xf32>
      %swap3A_581 = vector.shape_cast %add3A_575 : vector<8x128xf32> to vector<1x8x128xf32>
      tpu.vector_store %arg7[%swap3A_576, %swap3A_577, %swap3A_578], %swap3A_581 {strides = array<i32>} : memref<1024x8x128xf32, #tpu.memory_space<vmem>>, vector<1x8x128xf32>,
      %add3A_582 = arith.constant 13 : i32
      %add3A_583 = arith.addi %mul3A_22, %add3A_582 : i32
      %get3A_584 = arith.constant 0 : index
      %get3A_585 = arith.index_cast %add3A_583 : i32 to index
      %get3A_586 = memref.load %arg1[%get3A_584, %get3A_585] : memref<4x1024xi32, #tpu.memory_space<smem>>
      %get3A_587 = arith.index_cast %get3A_586 : i32 to index
      %get3A_588 = arith.constant 0 : index
      %get3A_589 = arith.constant 0 : index
      %get3A_590 = vector.load %arg3[%get3A_587, %get3A_588, %get3A_589] : memref<1793x8x128xf32, #tpu.memory_space<vmem>>, vector<1x8x128xf32>
      %get3A_591 = vector.shape_cast %get3A_590 : vector<1x8x128xf32> to vector<8x128xf32>
      %get3A_592 = arith.constant 1 : index
      %get3A_593 = arith.index_cast %add3A_583 : i32 to index
      %get3A_594 = memref.load %arg1[%get3A_592, %get3A_593] : memref<4x1024xi32, #tpu.memory_space<smem>>
      %get3A_595 = arith.index_cast %get3A_594 : i32 to index
      %get3A_596 = arith.constant 0 : index
      %get3A_597 = arith.constant 0 : index
      %get3A_598 = vector.load %arg3[%get3A_595, %get3A_596, %get3A_597] : memref<1793x8x128xf32, #tpu.memory_space<vmem>>, vector<1x8x128xf32>
      %get3A_599 = vector.shape_cast %get3A_598 : vector<1x8x128xf32> to vector<8x128xf32>
      %add3A_600 = arith.addf %get3A_591, %get3A_599 : vector<8x128xf32>
      %get3A_601 = arith.constant 2 : index
      %get3A_602 = arith.index_cast %add3A_583 : i32 to index
      %get3A_603 = memref.load %arg1[%get3A_601, %get3A_602] : memref<4x1024xi32, #tpu.memory_space<smem>>
      %get3A_604 = arith.index_cast %get3A_603 : i32 to index
      %get3A_605 = arith.constant 0 : index
      %get3A_606 = arith.constant 0 : index
      %get3A_607 = vector.load %arg3[%get3A_604, %get3A_605, %get3A_606] : memref<1793x8x128xf32, #tpu.memory_space<vmem>>, vector<1x8x128xf32>
      %get3A_608 = vector.shape_cast %get3A_607 : vector<1x8x128xf32> to vector<8x128xf32>
      %get3A_609 = arith.constant 3 : index
      %get3A_610 = arith.index_cast %add3A_583 : i32 to index
      %get3A_611 = memref.load %arg1[%get3A_609, %get3A_610] : memref<4x1024xi32, #tpu.memory_space<smem>>
      %get3A_612 = arith.index_cast %get3A_611 : i32 to index
      %get3A_613 = arith.constant 0 : index
      %get3A_614 = arith.constant 0 : index
      %get3A_615 = vector.load %arg3[%get3A_612, %get3A_613, %get3A_614] : memref<1793x8x128xf32, #tpu.memory_space<vmem>>, vector<1x8x128xf32>
      %get3A_616 = vector.shape_cast %get3A_615 : vector<1x8x128xf32> to vector<8x128xf32>
      %add3A_617 = arith.addf %get3A_608, %get3A_616 : vector<8x128xf32>
      %add3A_618 = arith.addf %add3A_600, %add3A_617 : vector<8x128xf32>
      %swap3A_619 = arith.index_cast %add3A_583 : i32 to index
      %swap3A_620 = arith.constant 0 : index
      %swap3A_621 = arith.constant 0 : index
      %swap3A_622 = vector.load %arg7[%swap3A_619, %swap3A_620, %swap3A_621] : memref<1024x8x128xf32, #tpu.memory_space<vmem>>, vector<1x8x128xf32>
      %swap3A_623 = vector.shape_cast %swap3A_622 : vector<1x8x128xf32> to vector<8x128xf32>
      %swap3A_624 = vector.shape_cast %add3A_618 : vector<8x128xf32> to vector<1x8x128xf32>
      tpu.vector_store %arg7[%swap3A_619, %swap3A_620, %swap3A_621], %swap3A_624 {strides = array<i32>} : memref<1024x8x128xf32, #tpu.memory_space<vmem>>, vector<1x8x128xf32>,
      %add3A_625 = arith.constant 14 : i32
      %add3A_626 = arith.addi %mul3A_22, %add3A_625 : i32
      %get3A_627 = arith.constant 0 : index
      %get3A_628 = arith.index_cast %add3A_626 : i32 to index
      %get3A_629 = memref.load %arg1[%get3A_627, %get3A_628] : memref<4x1024xi32, #tpu.memory_space<smem>>
      %get3A_630 = arith.index_cast %get3A_629 : i32 to index
      %get3A_631 = arith.constant 0 : index
      %get3A_632 = arith.constant 0 : index
      %get3A_633 = vector.load %arg3[%get3A_630, %get3A_631, %get3A_632] : memref<1793x8x128xf32, #tpu.memory_space<vmem>>, vector<1x8x128xf32>
      %get3A_634 = vector.shape_cast %get3A_633 : vector<1x8x128xf32> to vector<8x128xf32>
      %get3A_635 = arith.constant 1 : index
      %get3A_636 = arith.index_cast %add3A_626 : i32 to index
      %get3A_637 = memref.load %arg1[%get3A_635, %get3A_636] : memref<4x1024xi32, #tpu.memory_space<smem>>
      %get3A_638 = arith.index_cast %get3A_637 : i32 to index
      %get3A_639 = arith.constant 0 : index
      %get3A_640 = arith.constant 0 : index
      %get3A_641 = vector.load %arg3[%get3A_638, %get3A_639, %get3A_640] : memref<1793x8x128xf32, #tpu.memory_space<vmem>>, vector<1x8x128xf32>
      %get3A_642 = vector.shape_cast %get3A_641 : vector<1x8x128xf32> to vector<8x128xf32>
      %add3A_643 = arith.addf %get3A_634, %get3A_642 : vector<8x128xf32>
      %get3A_644 = arith.constant 2 : index
      %get3A_645 = arith.index_cast %add3A_626 : i32 to index
      %get3A_646 = memref.load %arg1[%get3A_644, %get3A_645] : memref<4x1024xi32, #tpu.memory_space<smem>>
      %get3A_647 = arith.index_cast %get3A_646 : i32 to index
      %get3A_648 = arith.constant 0 : index
      %get3A_649 = arith.constant 0 : index
      %get3A_650 = vector.load %arg3[%get3A_647, %get3A_648, %get3A_649] : memref<1793x8x128xf32, #tpu.memory_space<vmem>>, vector<1x8x128xf32>
      %get3A_651 = vector.shape_cast %get3A_650 : vector<1x8x128xf32> to vector<8x128xf32>
      %get3A_652 = arith.constant 3 : index
      %get3A_653 = arith.index_cast %add3A_626 : i32 to index
      %get3A_654 = memref.load %arg1[%get3A_652, %get3A_653] : memref<4x1024xi32, #tpu.memory_space<smem>>
      %get3A_655 = arith.index_cast %get3A_654 : i32 to index
      %get3A_656 = arith.constant 0 : index
      %get3A_657 = arith.constant 0 : index
      %get3A_658 = vector.load %arg3[%get3A_655, %get3A_656, %get3A_657] : memref<1793x8x128xf32, #tpu.memory_space<vmem>>, vector<1x8x128xf32>
      %get3A_659 = vector.shape_cast %get3A_658 : vector<1x8x128xf32> to vector<8x128xf32>
      %add3A_660 = arith.addf %get3A_651, %get3A_659 : vector<8x128xf32>
      %add3A_661 = arith.addf %add3A_643, %add3A_660 : vector<8x128xf32>
      %swap3A_662 = arith.index_cast %add3A_626 : i32 to index
      %swap3A_663 = arith.constant 0 : index
      %swap3A_664 = arith.constant 0 : index
      %swap3A_665 = vector.load %arg7[%swap3A_662, %swap3A_663, %swap3A_664] : memref<1024x8x128xf32, #tpu.memory_space<vmem>>, vector<1x8x128xf32>
      %swap3A_666 = vector.shape_cast %swap3A_665 : vector<1x8x128xf32> to vector<8x128xf32>
      %swap3A_667 = vector.shape_cast %add3A_661 : vector<8x128xf32> to vector<1x8x128xf32>
      tpu.vector_store %arg7[%swap3A_662, %swap3A_663, %swap3A_664], %swap3A_667 {strides = array<i32>} : memref<1024x8x128xf32, #tpu.memory_space<vmem>>, vector<1x8x128xf32>,
      %add3A_668 = arith.constant 15 : i32
      %add3A_669 = arith.addi %mul3A_22, %add3A_668 : i32
      %get3A_670 = arith.constant 0 : index
      %get3A_671 = arith.index_cast %add3A_669 : i32 to index
      %get3A_672 = memref.load %arg1[%get3A_670, %get3A_671] : memref<4x1024xi32, #tpu.memory_space<smem>>
      %get3A_673 = arith.index_cast %get3A_672 : i32 to index
      %get3A_674 = arith.constant 0 : index
      %get3A_675 = arith.constant 0 : index
      %get3A_676 = vector.load %arg3[%get3A_673, %get3A_674, %get3A_675] : memref<1793x8x128xf32, #tpu.memory_space<vmem>>, vector<1x8x128xf32>
      %get3A_677 = vector.shape_cast %get3A_676 : vector<1x8x128xf32> to vector<8x128xf32>
      %get3A_678 = arith.constant 1 : index
      %get3A_679 = arith.index_cast %add3A_669 : i32 to index
      %get3A_680 = memref.load %arg1[%get3A_678, %get3A_679] : memref<4x1024xi32, #tpu.memory_space<smem>>
      %get3A_681 = arith.index_cast %get3A_680 : i32 to index
      %get3A_682 = arith.constant 0 : index
      %get3A_683 = arith.constant 0 : index
      %get3A_684 = vector.load %arg3[%get3A_681, %get3A_682, %get3A_683] : memref<1793x8x128xf32, #tpu.memory_space<vmem>>, vector<1x8x128xf32>
      %get3A_685 = vector.shape_cast %get3A_684 : vector<1x8x128xf32> to vector<8x128xf32>
      %add3A_686 = arith.addf %get3A_677, %get3A_685 : vector<8x128xf32>
      %get3A_687 = arith.constant 2 : index
      %get3A_688 = arith.index_cast %add3A_669 : i32 to index
      %get3A_689 = memref.load %arg1[%get3A_687, %get3A_688] : memref<4x1024xi32, #tpu.memory_space<smem>>
      %get3A_690 = arith.index_cast %get3A_689 : i32 to index
      %get3A_691 = arith.constant 0 : index
      %get3A_692 = arith.constant 0 : index
      %get3A_693 = vector.load %arg3[%get3A_690, %get3A_691, %get3A_692] : memref<1793x8x128xf32, #tpu.memory_space<vmem>>, vector<1x8x128xf32>
      %get3A_694 = vector.shape_cast %get3A_693 : vector<1x8x128xf32> to vector<8x128xf32>
      %get3A_695 = arith.constant 3 : index
      %get3A_696 = arith.index_cast %add3A_669 : i32 to index
      %get3A_697 = memref.load %arg1[%get3A_695, %get3A_696] : memref<4x1024xi32, #tpu.memory_space<smem>>
      %get3A_698 = arith.index_cast %get3A_697 : i32 to index
      %get3A_699 = arith.constant 0 : index
      %get3A_700 = arith.constant 0 : index
      %get3A_701 = vector.load %arg3[%get3A_698, %get3A_699, %get3A_700] : memref<1793x8x128xf32, #tpu.memory_space<vmem>>, vector<1x8x128xf32>
      %get3A_702 = vector.shape_cast %get3A_701 : vector<1x8x128xf32> to vector<8x128xf32>
      %add3A_703 = arith.addf %get3A_694, %get3A_702 : vector<8x128xf32>
      %add3A_704 = arith.addf %add3A_686, %add3A_703 : vector<8x128xf32>
      %swap3A_705 = arith.index_cast %add3A_669 : i32 to index
      %swap3A_706 = arith.constant 0 : index
      %swap3A_707 = arith.constant 0 : index
      %swap3A_708 = vector.load %arg7[%swap3A_705, %swap3A_706, %swap3A_707] : memref<1024x8x128xf32, #tpu.memory_space<vmem>>, vector<1x8x128xf32>
      %swap3A_709 = vector.shape_cast %swap3A_708 : vector<1x8x128xf32> to vector<8x128xf32>
      %swap3A_710 = vector.shape_cast %add3A_704 : vector<8x128xf32> to vector<1x8x128xf32>
      tpu.vector_store %arg7[%swap3A_705, %swap3A_706, %swap3A_707], %swap3A_710 {strides = array<i32>} : memref<1024x8x128xf32, #tpu.memory_space<vmem>>, vector<1x8x128xf32>,
      %add3A_711 = arith.constant 16 : i32
      %add3A_712 = arith.addi %mul3A_22, %add3A_711 : i32
      %get3A_713 = arith.constant 0 : index
      %get3A_714 = arith.index_cast %add3A_712 : i32 to index
      %get3A_715 = memref.load %arg1[%get3A_713, %get3A_714] : memref<4x1024xi32, #tpu.memory_space<smem>>
      %get3A_716 = arith.index_cast %get3A_715 : i32 to index
      %get3A_717 = arith.constant 0 : index
      %get3A_718 = arith.constant 0 : index
      %get3A_719 = vector.load %arg3[%get3A_716, %get3A_717, %get3A_718] : memref<1793x8x128xf32, #tpu.memory_space<vmem>>, vector<1x8x128xf32>
      %get3A_720 = vector.shape_cast %get3A_719 : vector<1x8x128xf32> to vector<8x128xf32>
      %get3A_721 = arith.constant 1 : index
      %get3A_722 = arith.index_cast %add3A_712 : i32 to index
      %get3A_723 = memref.load %arg1[%get3A_721, %get3A_722] : memref<4x1024xi32, #tpu.memory_space<smem>>
      %get3A_724 = arith.index_cast %get3A_723 : i32 to index
      %get3A_725 = arith.constant 0 : index
      %get3A_726 = arith.constant 0 : index
      %get3A_727 = vector.load %arg3[%get3A_724, %get3A_725, %get3A_726] : memref<1793x8x128xf32, #tpu.memory_space<vmem>>, vector<1x8x128xf32>
      %get3A_728 = vector.shape_cast %get3A_727 : vector<1x8x128xf32> to vector<8x128xf32>
      %add3A_729 = arith.addf %get3A_720, %get3A_728 : vector<8x128xf32>
      %get3A_730 = arith.constant 2 : index
      %get3A_731 = arith.index_cast %add3A_712 : i32 to index
      %get3A_732 = memref.load %arg1[%get3A_730, %get3A_731] : memref<4x1024xi32, #tpu.memory_space<smem>>
      %get3A_733 = arith.index_cast %get3A_732 : i32 to index
      %get3A_734 = arith.constant 0 : index
      %get3A_735 = arith.constant 0 : index
      %get3A_736 = vector.load %arg3[%get3A_733, %get3A_734, %get3A_735] : memref<1793x8x128xf32, #tpu.memory_space<vmem>>, vector<1x8x128xf32>
      %get3A_737 = vector.shape_cast %get3A_736 : vector<1x8x128xf32> to vector<8x128xf32>
      %get3A_738 = arith.constant 3 : index
      %get3A_739 = arith.index_cast %add3A_712 : i32 to index
      %get3A_740 = memref.load %arg1[%get3A_738, %get3A_739] : memref<4x1024xi32, #tpu.memory_space<smem>>
      %get3A_741 = arith.index_cast %get3A_740 : i32 to index
      %get3A_742 = arith.constant 0 : index
      %get3A_743 = arith.constant 0 : index
      %get3A_744 = vector.load %arg3[%get3A_741, %get3A_742, %get3A_743] : memref<1793x8x128xf32, #tpu.memory_space<vmem>>, vector<1x8x128xf32>
      %get3A_745 = vector.shape_cast %get3A_744 : vector<1x8x128xf32> to vector<8x128xf32>
      %add3A_746 = arith.addf %get3A_737, %get3A_745 : vector<8x128xf32>
      %add3A_747 = arith.addf %add3A_729, %add3A_746 : vector<8x128xf32>
      %swap3A_748 = arith.index_cast %add3A_712 : i32 to index
      %swap3A_749 = arith.constant 0 : index
      %swap3A_750 = arith.constant 0 : index
      %swap3A_751 = vector.load %arg7[%swap3A_748, %swap3A_749, %swap3A_750] : memref<1024x8x128xf32, #tpu.memory_space<vmem>>, vector<1x8x128xf32>
      %swap3A_752 = vector.shape_cast %swap3A_751 : vector<1x8x128xf32> to vector<8x128xf32>
      %swap3A_753 = vector.shape_cast %add3A_747 : vector<8x128xf32> to vector<1x8x128xf32>
      tpu.vector_store %arg7[%swap3A_748, %swap3A_749, %swap3A_750], %swap3A_753 {strides = array<i32>} : memref<1024x8x128xf32, #tpu.memory_space<vmem>>, vector<1x8x128xf32>,
      %add3A_754 = arith.constant 17 : i32
      %add3A_755 = arith.addi %mul3A_22, %add3A_754 : i32
      %get3A_756 = arith.constant 0 : index
      %get3A_757 = arith.index_cast %add3A_755 : i32 to index
      %get3A_758 = memref.load %arg1[%get3A_756, %get3A_757] : memref<4x1024xi32, #tpu.memory_space<smem>>
      %get3A_759 = arith.index_cast %get3A_758 : i32 to index
      %get3A_760 = arith.constant 0 : index
      %get3A_761 = arith.constant 0 : index
      %get3A_762 = vector.load %arg3[%get3A_759, %get3A_760, %get3A_761] : memref<1793x8x128xf32, #tpu.memory_space<vmem>>, vector<1x8x128xf32>
      %get3A_763 = vector.shape_cast %get3A_762 : vector<1x8x128xf32> to vector<8x128xf32>
      %get3A_764 = arith.constant 1 : index
      %get3A_765 = arith.index_cast %add3A_755 : i32 to index
      %get3A_766 = memref.load %arg1[%get3A_764, %get3A_765] : memref<4x1024xi32, #tpu.memory_space<smem>>
      %get3A_767 = arith.index_cast %get3A_766 : i32 to index
      %get3A_768 = arith.constant 0 : index
      %get3A_769 = arith.constant 0 : index
      %get3A_770 = vector.load %arg3[%get3A_767, %get3A_768, %get3A_769] : memref<1793x8x128xf32, #tpu.memory_space<vmem>>, vector<1x8x128xf32>
      %get3A_771 = vector.shape_cast %get3A_770 : vector<1x8x128xf32> to vector<8x128xf32>
      %add3A_772 = arith.addf %get3A_763, %get3A_771 : vector<8x128xf32>
      %get3A_773 = arith.constant 2 : index
      %get3A_774 = arith.index_cast %add3A_755 : i32 to index
      %get3A_775 = memref.load %arg1[%get3A_773, %get3A_774] : memref<4x1024xi32, #tpu.memory_space<smem>>
      %get3A_776 = arith.index_cast %get3A_775 : i32 to index
      %get3A_777 = arith.constant 0 : index
      %get3A_778 = arith.constant 0 : index
      %get3A_779 = vector.load %arg3[%get3A_776, %get3A_777, %get3A_778] : memref<1793x8x128xf32, #tpu.memory_space<vmem>>, vector<1x8x128xf32>
      %get3A_780 = vector.shape_cast %get3A_779 : vector<1x8x128xf32> to vector<8x128xf32>
      %get3A_781 = arith.constant 3 : index
      %get3A_782 = arith.index_cast %add3A_755 : i32 to index
      %get3A_783 = memref.load %arg1[%get3A_781, %get3A_782] : memref<4x1024xi32, #tpu.memory_space<smem>>
      %get3A_784 = arith.index_cast %get3A_783 : i32 to index
      %get3A_785 = arith.constant 0 : index
      %get3A_786 = arith.constant 0 : index
      %get3A_787 = vector.load %arg3[%get3A_784, %get3A_785, %get3A_786] : memref<1793x8x128xf32, #tpu.memory_space<vmem>>, vector<1x8x128xf32>
      %get3A_788 = vector.shape_cast %get3A_787 : vector<1x8x128xf32> to vector<8x128xf32>
      %add3A_789 = arith.addf %get3A_780, %get3A_788 : vector<8x128xf32>
      %add3A_790 = arith.addf %add3A_772, %add3A_789 : vector<8x128xf32>
      %swap3A_791 = arith.index_cast %add3A_755 : i32 to index
      %swap3A_792 = arith.constant 0 : index
      %swap3A_793 = arith.constant 0 : index
      %swap3A_794 = vector.load %arg7[%swap3A_791, %swap3A_792, %swap3A_793] : memref<1024x8x128xf32, #tpu.memory_space<vmem>>, vector<1x8x128xf32>
      %swap3A_795 = vector.shape_cast %swap3A_794 : vector<1x8x128xf32> to vector<8x128xf32>
      %swap3A_796 = vector.shape_cast %add3A_790 : vector<8x128xf32> to vector<1x8x128xf32>
      tpu.vector_store %arg7[%swap3A_791, %swap3A_792, %swap3A_793], %swap3A_796 {strides = array<i32>} : memref<1024x8x128xf32, #tpu.memory_space<vmem>>, vector<1x8x128xf32>,
      %add3A_797 = arith.constant 18 : i32
      %add3A_798 = arith.addi %mul3A_22, %add3A_797 : i32
      %get3A_799 = arith.constant 0 : index
      %get3A_800 = arith.index_cast %add3A_798 : i32 to index
      %get3A_801 = memref.load %arg1[%get3A_799, %get3A_800] : memref<4x1024xi32, #tpu.memory_space<smem>>
      %get3A_802 = arith.index_cast %get3A_801 : i32 to index
      %get3A_803 = arith.constant 0 : index
      %get3A_804 = arith.constant 0 : index
      %get3A_805 = vector.load %arg3[%get3A_802, %get3A_803, %get3A_804] : memref<1793x8x128xf32, #tpu.memory_space<vmem>>, vector<1x8x128xf32>
      %get3A_806 = vector.shape_cast %get3A_805 : vector<1x8x128xf32> to vector<8x128xf32>
      %get3A_807 = arith.constant 1 : index
      %get3A_808 = arith.index_cast %add3A_798 : i32 to index
      %get3A_809 = memref.load %arg1[%get3A_807, %get3A_808] : memref<4x1024xi32, #tpu.memory_space<smem>>
      %get3A_810 = arith.index_cast %get3A_809 : i32 to index
      %get3A_811 = arith.constant 0 : index
      %get3A_812 = arith.constant 0 : index
      %get3A_813 = vector.load %arg3[%get3A_810, %get3A_811, %get3A_812] : memref<1793x8x128xf32, #tpu.memory_space<vmem>>, vector<1x8x128xf32>
      %get3A_814 = vector.shape_cast %get3A_813 : vector<1x8x128xf32> to vector<8x128xf32>
      %add3A_815 = arith.addf %get3A_806, %get3A_814 : vector<8x128xf32>
      %get3A_816 = arith.constant 2 : index
      %get3A_817 = arith.index_cast %add3A_798 : i32 to index
      %get3A_818 = memref.load %arg1[%get3A_816, %get3A_817] : memref<4x1024xi32, #tpu.memory_space<smem>>
      %get3A_819 = arith.index_cast %get3A_818 : i32 to index
      %get3A_820 = arith.constant 0 : index
      %get3A_821 = arith.constant 0 : index
      %get3A_822 = vector.load %arg3[%get3A_819, %get3A_820, %get3A_821] : memref<1793x8x128xf32, #tpu.memory_space<vmem>>, vector<1x8x128xf32>
      %get3A_823 = vector.shape_cast %get3A_822 : vector<1x8x128xf32> to vector<8x128xf32>
      %get3A_824 = arith.constant 3 : index
      %get3A_825 = arith.index_cast %add3A_798 : i32 to index
      %get3A_826 = memref.load %arg1[%get3A_824, %get3A_825] : memref<4x1024xi32, #tpu.memory_space<smem>>
      %get3A_827 = arith.index_cast %get3A_826 : i32 to index
      %get3A_828 = arith.constant 0 : index
      %get3A_829 = arith.constant 0 : index
      %get3A_830 = vector.load %arg3[%get3A_827, %get3A_828, %get3A_829] : memref<1793x8x128xf32, #tpu.memory_space<vmem>>, vector<1x8x128xf32>
      %get3A_831 = vector.shape_cast %get3A_830 : vector<1x8x128xf32> to vector<8x128xf32>
      %add3A_832 = arith.addf %get3A_823, %get3A_831 : vector<8x128xf32>
      %add3A_833 = arith.addf %add3A_815, %add3A_832 : vector<8x128xf32>
      %swap3A_834 = arith.index_cast %add3A_798 : i32 to index
      %swap3A_835 = arith.constant 0 : index
      %swap3A_836 = arith.constant 0 : index
      %swap3A_837 = vector.load %arg7[%swap3A_834, %swap3A_835, %swap3A_836] : memref<1024x8x128xf32, #tpu.memory_space<vmem>>, vector<1x8x128xf32>
      %swap3A_838 = vector.shape_cast %swap3A_837 : vector<1x8x128xf32> to vector<8x128xf32>
      %swap3A_839 = vector.shape_cast %add3A_833 : vector<8x128xf32> to vector<1x8x128xf32>
      tpu.vector_store %arg7[%swap3A_834, %swap3A_835, %swap3A_836], %swap3A_839 {strides = array<i32>} : memref<1024x8x128xf32, #tpu.memory_space<vmem>>, vector<1x8x128xf32>,
      %add3A_840 = arith.constant 19 : i32
      %add3A_841 = arith.addi %mul3A_22, %add3A_840 : i32
      %get3A_842 = arith.constant 0 : index
      %get3A_843 = arith.index_cast %add3A_841 : i32 to index
      %get3A_844 = memref.load %arg1[%get3A_842, %get3A_843] : memref<4x1024xi32, #tpu.memory_space<smem>>
      %get3A_845 = arith.index_cast %get3A_844 : i32 to index
      %get3A_846 = arith.constant 0 : index
      %get3A_847 = arith.constant 0 : index
      %get3A_848 = vector.load %arg3[%get3A_845, %get3A_846, %get3A_847] : memref<1793x8x128xf32, #tpu.memory_space<vmem>>, vector<1x8x128xf32>
      %get3A_849 = vector.shape_cast %get3A_848 : vector<1x8x128xf32> to vector<8x128xf32>
      %get3A_850 = arith.constant 1 : index
      %get3A_851 = arith.index_cast %add3A_841 : i32 to index
      %get3A_852 = memref.load %arg1[%get3A_850, %get3A_851] : memref<4x1024xi32, #tpu.memory_space<smem>>
      %get3A_853 = arith.index_cast %get3A_852 : i32 to index
      %get3A_854 = arith.constant 0 : index
      %get3A_855 = arith.constant 0 : index
      %get3A_856 = vector.load %arg3[%get3A_853, %get3A_854, %get3A_855] : memref<1793x8x128xf32, #tpu.memory_space<vmem>>, vector<1x8x128xf32>
      %get3A_857 = vector.shape_cast %get3A_856 : vector<1x8x128xf32> to vector<8x128xf32>
      %add3A_858 = arith.addf %get3A_849, %get3A_857 : vector<8x128xf32>
      %get3A_859 = arith.constant 2 : index
      %get3A_860 = arith.index_cast %add3A_841 : i32 to index
      %get3A_861 = memref.load %arg1[%get3A_859, %get3A_860] : memref<4x1024xi32, #tpu.memory_space<smem>>
      %get3A_862 = arith.index_cast %get3A_861 : i32 to index
      %get3A_863 = arith.constant 0 : index
      %get3A_864 = arith.constant 0 : index
      %get3A_865 = vector.load %arg3[%get3A_862, %get3A_863, %get3A_864] : memref<1793x8x128xf32, #tpu.memory_space<vmem>>, vector<1x8x128xf32>
      %get3A_866 = vector.shape_cast %get3A_865 : vector<1x8x128xf32> to vector<8x128xf32>
      %get3A_867 = arith.constant 3 : index
      %get3A_868 = arith.index_cast %add3A_841 : i32 to index
      %get3A_869 = memref.load %arg1[%get3A_867, %get3A_868] : memref<4x1024xi32, #tpu.memory_space<smem>>
      %get3A_870 = arith.index_cast %get3A_869 : i32 to index
      %get3A_871 = arith.constant 0 : index
      %get3A_872 = arith.constant 0 : index
      %get3A_873 = vector.load %arg3[%get3A_870, %get3A_871, %get3A_872] : memref<1793x8x128xf32, #tpu.memory_space<vmem>>, vector<1x8x128xf32>
      %get3A_874 = vector.shape_cast %get3A_873 : vector<1x8x128xf32> to vector<8x128xf32>
      %add3A_875 = arith.addf %get3A_866, %get3A_874 : vector<8x128xf32>
      %add3A_876 = arith.addf %add3A_858, %add3A_875 : vector<8x128xf32>
      %swap3A_877 = arith.index_cast %add3A_841 : i32 to index
      %swap3A_878 = arith.constant 0 : index
      %swap3A_879 = arith.constant 0 : index
      %swap3A_880 = vector.load %arg7[%swap3A_877, %swap3A_878, %swap3A_879] : memref<1024x8x128xf32, #tpu.memory_space<vmem>>, vector<1x8x128xf32>
      %swap3A_881 = vector.shape_cast %swap3A_880 : vector<1x8x128xf32> to vector<8x128xf32>
      %swap3A_882 = vector.shape_cast %add3A_876 : vector<8x128xf32> to vector<1x8x128xf32>
      tpu.vector_store %arg7[%swap3A_877, %swap3A_878, %swap3A_879], %swap3A_882 {strides = array<i32>} : memref<1024x8x128xf32, #tpu.memory_space<vmem>>, vector<1x8x128xf32>,
      %add3A_883 = arith.constant 20 : i32
      %add3A_884 = arith.addi %mul3A_22, %add3A_883 : i32
      %get3A_885 = arith.constant 0 : index
      %get3A_886 = arith.index_cast %add3A_884 : i32 to index
      %get3A_887 = memref.load %arg1[%get3A_885, %get3A_886] : memref<4x1024xi32, #tpu.memory_space<smem>>
      %get3A_888 = arith.index_cast %get3A_887 : i32 to index
      %get3A_889 = arith.constant 0 : index
      %get3A_890 = arith.constant 0 : index
      %get3A_891 = vector.load %arg3[%get3A_888, %get3A_889, %get3A_890] : memref<1793x8x128xf32, #tpu.memory_space<vmem>>, vector<1x8x128xf32>
      %get3A_892 = vector.shape_cast %get3A_891 : vector<1x8x128xf32> to vector<8x128xf32>
      %get3A_893 = arith.constant 1 : index
      %get3A_894 = arith.index_cast %add3A_884 : i32 to index
      %get3A_895 = memref.load %arg1[%get3A_893, %get3A_894] : memref<4x1024xi32, #tpu.memory_space<smem>>
      %get3A_896 = arith.index_cast %get3A_895 : i32 to index
      %get3A_897 = arith.constant 0 : index
      %get3A_898 = arith.constant 0 : index
      %get3A_899 = vector.load %arg3[%get3A_896, %get3A_897, %get3A_898] : memref<1793x8x128xf32, #tpu.memory_space<vmem>>, vector<1x8x128xf32>
      %get3A_900 = vector.shape_cast %get3A_899 : vector<1x8x128xf32> to vector<8x128xf32>
      %add3A_901 = arith.addf %get3A_892, %get3A_900 : vector<8x128xf32>
      %get3A_902 = arith.constant 2 : index
      %get3A_903 = arith.index_cast %add3A_884 : i32 to index
      %get3A_904 = memref.load %arg1[%get3A_902, %get3A_903] : memref<4x1024xi32, #tpu.memory_space<smem>>
      %get3A_905 = arith.index_cast %get3A_904 : i32 to index
      %get3A_906 = arith.constant 0 : index
      %get3A_907 = arith.constant 0 : index
      %get3A_908 = vector.load %arg3[%get3A_905, %get3A_906, %get3A_907] : memref<1793x8x128xf32, #tpu.memory_space<vmem>>, vector<1x8x128xf32>
      %get3A_909 = vector.shape_cast %get3A_908 : vector<1x8x128xf32> to vector<8x128xf32>
      %get3A_910 = arith.constant 3 : index
      %get3A_911 = arith.index_cast %add3A_884 : i32 to index
      %get3A_912 = memref.load %arg1[%get3A_910, %get3A_911] : memref<4x1024xi32, #tpu.memory_space<smem>>
      %get3A_913 = arith.index_cast %get3A_912 : i32 to index
      %get3A_914 = arith.constant 0 : index
      %get3A_915 = arith.constant 0 : index
      %get3A_916 = vector.load %arg3[%get3A_913, %get3A_914, %get3A_915] : memref<1793x8x128xf32, #tpu.memory_space<vmem>>, vector<1x8x128xf32>
      %get3A_917 = vector.shape_cast %get3A_916 : vector<1x8x128xf32> to vector<8x128xf32>
      %add3A_918 = arith.addf %get3A_909, %get3A_917 : vector<8x128xf32>
      %add3A_919 = arith.addf %add3A_901, %add3A_918 : vector<8x128xf32>
      %swap3A_920 = arith.index_cast %add3A_884 : i32 to index
      %swap3A_921 = arith.constant 0 : index
      %swap3A_922 = arith.constant 0 : index
      %swap3A_923 = vector.load %arg7[%swap3A_920, %swap3A_921, %swap3A_922] : memref<1024x8x128xf32, #tpu.memory_space<vmem>>, vector<1x8x128xf32>
      %swap3A_924 = vector.shape_cast %swap3A_923 : vector<1x8x128xf32> to vector<8x128xf32>
      %swap3A_925 = vector.shape_cast %add3A_919 : vector<8x128xf32> to vector<1x8x128xf32>
      tpu.vector_store %arg7[%swap3A_920, %swap3A_921, %swap3A_922], %swap3A_925 {strides = array<i32>} : memref<1024x8x128xf32, #tpu.memory_space<vmem>>, vector<1x8x128xf32>,
      %add3A_926 = arith.constant 21 : i32
      %add3A_927 = arith.addi %mul3A_22, %add3A_926 : i32
      %get3A_928 = arith.constant 0 : index
      %get3A_929 = arith.index_cast %add3A_927 : i32 to index
      %get3A_930 = memref.load %arg1[%get3A_928, %get3A_929] : memref<4x1024xi32, #tpu.memory_space<smem>>
      %get3A_931 = arith.index_cast %get3A_930 : i32 to index
      %get3A_932 = arith.constant 0 : index
      %get3A_933 = arith.constant 0 : index
      %get3A_934 = vector.load %arg3[%get3A_931, %get3A_932, %get3A_933] : memref<1793x8x128xf32, #tpu.memory_space<vmem>>, vector<1x8x128xf32>
      %get3A_935 = vector.shape_cast %get3A_934 : vector<1x8x128xf32> to vector<8x128xf32>
      %get3A_936 = arith.constant 1 : index
      %get3A_937 = arith.index_cast %add3A_927 : i32 to index
      %get3A_938 = memref.load %arg1[%get3A_936, %get3A_937] : memref<4x1024xi32, #tpu.memory_space<smem>>
      %get3A_939 = arith.index_cast %get3A_938 : i32 to index
      %get3A_940 = arith.constant 0 : index
      %get3A_941 = arith.constant 0 : index
      %get3A_942 = vector.load %arg3[%get3A_939, %get3A_940, %get3A_941] : memref<1793x8x128xf32, #tpu.memory_space<vmem>>, vector<1x8x128xf32>
      %get3A_943 = vector.shape_cast %get3A_942 : vector<1x8x128xf32> to vector<8x128xf32>
      %add3A_944 = arith.addf %get3A_935, %get3A_943 : vector<8x128xf32>
      %get3A_945 = arith.constant 2 : index
      %get3A_946 = arith.index_cast %add3A_927 : i32 to index
      %get3A_947 = memref.load %arg1[%get3A_945, %get3A_946] : memref<4x1024xi32, #tpu.memory_space<smem>>
      %get3A_948 = arith.index_cast %get3A_947 : i32 to index
      %get3A_949 = arith.constant 0 : index
      %get3A_950 = arith.constant 0 : index
      %get3A_951 = vector.load %arg3[%get3A_948, %get3A_949, %get3A_950] : memref<1793x8x128xf32, #tpu.memory_space<vmem>>, vector<1x8x128xf32>
      %get3A_952 = vector.shape_cast %get3A_951 : vector<1x8x128xf32> to vector<8x128xf32>
      %get3A_953 = arith.constant 3 : index
      %get3A_954 = arith.index_cast %add3A_927 : i32 to index
      %get3A_955 = memref.load %arg1[%get3A_953, %get3A_954] : memref<4x1024xi32, #tpu.memory_space<smem>>
      %get3A_956 = arith.index_cast %get3A_955 : i32 to index
      %get3A_957 = arith.constant 0 : index
      %get3A_958 = arith.constant 0 : index
      %get3A_959 = vector.load %arg3[%get3A_956, %get3A_957, %get3A_958] : memref<1793x8x128xf32, #tpu.memory_space<vmem>>, vector<1x8x128xf32>
      %get3A_960 = vector.shape_cast %get3A_959 : vector<1x8x128xf32> to vector<8x128xf32>
      %add3A_961 = arith.addf %get3A_952, %get3A_960 : vector<8x128xf32>
      %add3A_962 = arith.addf %add3A_944, %add3A_961 : vector<8x128xf32>
      %swap3A_963 = arith.index_cast %add3A_927 : i32 to index
      %swap3A_964 = arith.constant 0 : index
      %swap3A_965 = arith.constant 0 : index
      %swap3A_966 = vector.load %arg7[%swap3A_963, %swap3A_964, %swap3A_965] : memref<1024x8x128xf32, #tpu.memory_space<vmem>>, vector<1x8x128xf32>
      %swap3A_967 = vector.shape_cast %swap3A_966 : vector<1x8x128xf32> to vector<8x128xf32>
      %swap3A_968 = vector.shape_cast %add3A_962 : vector<8x128xf32> to vector<1x8x128xf32>
      tpu.vector_store %arg7[%swap3A_963, %swap3A_964, %swap3A_965], %swap3A_968 {strides = array<i32>} : memref<1024x8x128xf32, #tpu.memory_space<vmem>>, vector<1x8x128xf32>,
      %add3A_969 = arith.constant 22 : i32
      %add3A_970 = arith.addi %mul3A_22, %add3A_969 : i32
      %get3A_971 = arith.constant 0 : index
      %get3A_972 = arith.index_cast %add3A_970 : i32 to index
      %get3A_973 = memref.load %arg1[%get3A_971, %get3A_972] : memref<4x1024xi32, #tpu.memory_space<smem>>
      %get3A_974 = arith.index_cast %get3A_973 : i32 to index
      %get3A_975 = arith.constant 0 : index
      %get3A_976 = arith.constant 0 : index
      %get3A_977 = vector.load %arg3[%get3A_974, %get3A_975, %get3A_976] : memref<1793x8x128xf32, #tpu.memory_space<vmem>>, vector<1x8x128xf32>
      %get3A_978 = vector.shape_cast %get3A_977 : vector<1x8x128xf32> to vector<8x128xf32>
      %get3A_979 = arith.constant 1 : index
      %get3A_980 = arith.index_cast %add3A_970 : i32 to index
      %get3A_981 = memref.load %arg1[%get3A_979, %get3A_980] : memref<4x1024xi32, #tpu.memory_space<smem>>
      %get3A_982 = arith.index_cast %get3A_981 : i32 to index
      %get3A_983 = arith.constant 0 : index
      %get3A_984 = arith.constant 0 : index
      %get3A_985 = vector.load %arg3[%get3A_982, %get3A_983, %get3A_984] : memref<1793x8x128xf32, #tpu.memory_space<vmem>>, vector<1x8x128xf32>
      %get3A_986 = vector.shape_cast %get3A_985 : vector<1x8x128xf32> to vector<8x128xf32>
      %add3A_987 = arith.addf %get3A_978, %get3A_986 : vector<8x128xf32>
      %get3A_988 = arith.constant 2 : index
      %get3A_989 = arith.index_cast %add3A_970 : i32 to index
      %get3A_990 = memref.load %arg1[%get3A_988, %get3A_989] : memref<4x1024xi32, #tpu.memory_space<smem>>
      %get3A_991 = arith.index_cast %get3A_990 : i32 to index
      %get3A_992 = arith.constant 0 : index
      %get3A_993 = arith.constant 0 : index
      %get3A_994 = vector.load %arg3[%get3A_991, %get3A_992, %get3A_993] : memref<1793x8x128xf32, #tpu.memory_space<vmem>>, vector<1x8x128xf32>
      %get3A_995 = vector.shape_cast %get3A_994 : vector<1x8x128xf32> to vector<8x128xf32>
      %get3A_996 = arith.constant 3 : index
      %get3A_997 = arith.index_cast %add3A_970 : i32 to index
      %get3A_998 = memref.load %arg1[%get3A_996, %get3A_997] : memref<4x1024xi32, #tpu.memory_space<smem>>
      %get3A_999 = arith.index_cast %get3A_998 : i32 to index
      %get3A_1000 = arith.constant 0 : index
      %get3A_1001 = arith.constant 0 : index
      %get3A_1002 = vector.load %arg3[%get3A_999, %get3A_1000, %get3A_1001] : memref<1793x8x128xf32, #tpu.memory_space<vmem>>, vector<1x8x128xf32>
      %get3A_1003 = vector.shape_cast %get3A_1002 : vector<1x8x128xf32> to vector<8x128xf32>
      %add3A_1004 = arith.addf %get3A_995, %get3A_1003 : vector<8x128xf32>
      %add3A_1005 = arith.addf %add3A_987, %add3A_1004 : vector<8x128xf32>
      %swap3A_1006 = arith.index_cast %add3A_970 : i32 to index
      %swap3A_1007 = arith.constant 0 : index
      %swap3A_1008 = arith.constant 0 : index
      %swap3A_1009 = vector.load %arg7[%swap3A_1006, %swap3A_1007, %swap3A_1008] : memref<1024x8x128xf32, #tpu.memory_space<vmem>>, vector<1x8x128xf32>
      %swap3A_1010 = vector.shape_cast %swap3A_1009 : vector<1x8x128xf32> to vector<8x128xf32>
      %swap3A_1011 = vector.shape_cast %add3A_1005 : vector<8x128xf32> to vector<1x8x128xf32>
      tpu.vector_store %arg7[%swap3A_1006, %swap3A_1007, %swap3A_1008], %swap3A_1011 {strides = array<i32>} : memref<1024x8x128xf32, #tpu.memory_space<vmem>>, vector<1x8x128xf32>,
      %add3A_1012 = arith.constant 23 : i32
      %add3A_1013 = arith.addi %mul3A_22, %add3A_1012 : i32
      %get3A_1014 = arith.constant 0 : index
      %get3A_1015 = arith.index_cast %add3A_1013 : i32 to index
      %get3A_1016 = memref.load %arg1[%get3A_1014, %get3A_1015] : memref<4x1024xi32, #tpu.memory_space<smem>>
      %get3A_1017 = arith.index_cast %get3A_1016 : i32 to index
      %get3A_1018 = arith.constant 0 : index
      %get3A_1019 = arith.constant 0 : index
      %get3A_1020 = vector.load %arg3[%get3A_1017, %get3A_1018, %get3A_1019] : memref<1793x8x128xf32, #tpu.memory_space<vmem>>, vector<1x8x128xf32>
      %get3A_1021 = vector.shape_cast %get3A_1020 : vector<1x8x128xf32> to vector<8x128xf32>
      %get3A_1022 = arith.constant 1 : index
      %get3A_1023 = arith.index_cast %add3A_1013 : i32 to index
      %get3A_1024 = memref.load %arg1[%get3A_1022, %get3A_1023] : memref<4x1024xi32, #tpu.memory_space<smem>>
      %get3A_1025 = arith.index_cast %get3A_1024 : i32 to index
      %get3A_1026 = arith.constant 0 : index
      %get3A_1027 = arith.constant 0 : index
      %get3A_1028 = vector.load %arg3[%get3A_1025, %get3A_1026, %get3A_1027] : memref<1793x8x128xf32, #tpu.memory_space<vmem>>, vector<1x8x128xf32>
      %get3A_1029 = vector.shape_cast %get3A_1028 : vector<1x8x128xf32> to vector<8x128xf32>
      %add3A_1030 = arith.addf %get3A_1021, %get3A_1029 : vector<8x128xf32>
      %get3A_1031 = arith.constant 2 : index
      %get3A_1032 = arith.index_cast %add3A_1013 : i32 to index
      %get3A_1033 = memref.load %arg1[%get3A_1031, %get3A_1032] : memref<4x1024xi32, #tpu.memory_space<smem>>
      %get3A_1034 = arith.index_cast %get3A_1033 : i32 to index
      %get3A_1035 = arith.constant 0 : index
      %get3A_1036 = arith.constant 0 : index
      %get3A_1037 = vector.load %arg3[%get3A_1034, %get3A_1035, %get3A_1036] : memref<1793x8x128xf32, #tpu.memory_space<vmem>>, vector<1x8x128xf32>
      %get3A_1038 = vector.shape_cast %get3A_1037 : vector<1x8x128xf32> to vector<8x128xf32>
      %get3A_1039 = arith.constant 3 : index
      %get3A_1040 = arith.index_cast %add3A_1013 : i32 to index
      %get3A_1041 = memref.load %arg1[%get3A_1039, %get3A_1040] : memref<4x1024xi32, #tpu.memory_space<smem>>
      %get3A_1042 = arith.index_cast %get3A_1041 : i32 to index
      %get3A_1043 = arith.constant 0 : index
      %get3A_1044 = arith.constant 0 : index
      %get3A_1045 = vector.load %arg3[%get3A_1042, %get3A_1043, %get3A_1044] : memref<1793x8x128xf32, #tpu.memory_space<vmem>>, vector<1x8x128xf32>
      %get3A_1046 = vector.shape_cast %get3A_1045 : vector<1x8x128xf32> to vector<8x128xf32>
      %add3A_1047 = arith.addf %get3A_1038, %get3A_1046 : vector<8x128xf32>
      %add3A_1048 = arith.addf %add3A_1030, %add3A_1047 : vector<8x128xf32>
      %swap3A_1049 = arith.index_cast %add3A_1013 : i32 to index
      %swap3A_1050 = arith.constant 0 : index
      %swap3A_1051 = arith.constant 0 : index
      %swap3A_1052 = vector.load %arg7[%swap3A_1049, %swap3A_1050, %swap3A_1051] : memref<1024x8x128xf32, #tpu.memory_space<vmem>>, vector<1x8x128xf32>
      %swap3A_1053 = vector.shape_cast %swap3A_1052 : vector<1x8x128xf32> to vector<8x128xf32>
      %swap3A_1054 = vector.shape_cast %add3A_1048 : vector<8x128xf32> to vector<1x8x128xf32>
      tpu.vector_store %arg7[%swap3A_1049, %swap3A_1050, %swap3A_1051], %swap3A_1054 {strides = array<i32>} : memref<1024x8x128xf32, #tpu.memory_space<vmem>>, vector<1x8x128xf32>,
      %add3A_1055 = arith.constant 24 : i32
      %add3A_1056 = arith.addi %mul3A_22, %add3A_1055 : i32
      %get3A_1057 = arith.constant 0 : index
      %get3A_1058 = arith.index_cast %add3A_1056 : i32 to index
      %get3A_1059 = memref.load %arg1[%get3A_1057, %get3A_1058] : memref<4x1024xi32, #tpu.memory_space<smem>>
      %get3A_1060 = arith.index_cast %get3A_1059 : i32 to index
      %get3A_1061 = arith.constant 0 : index
      %get3A_1062 = arith.constant 0 : index
      %get3A_1063 = vector.load %arg3[%get3A_1060, %get3A_1061, %get3A_1062] : memref<1793x8x128xf32, #tpu.memory_space<vmem>>, vector<1x8x128xf32>
      %get3A_1064 = vector.shape_cast %get3A_1063 : vector<1x8x128xf32> to vector<8x128xf32>
      %get3A_1065 = arith.constant 1 : index
      %get3A_1066 = arith.index_cast %add3A_1056 : i32 to index
      %get3A_1067 = memref.load %arg1[%get3A_1065, %get3A_1066] : memref<4x1024xi32, #tpu.memory_space<smem>>
      %get3A_1068 = arith.index_cast %get3A_1067 : i32 to index
      %get3A_1069 = arith.constant 0 : index
      %get3A_1070 = arith.constant 0 : index
      %get3A_1071 = vector.load %arg3[%get3A_1068, %get3A_1069, %get3A_1070] : memref<1793x8x128xf32, #tpu.memory_space<vmem>>, vector<1x8x128xf32>
      %get3A_1072 = vector.shape_cast %get3A_1071 : vector<1x8x128xf32> to vector<8x128xf32>
      %add3A_1073 = arith.addf %get3A_1064, %get3A_1072 : vector<8x128xf32>
      %get3A_1074 = arith.constant 2 : index
      %get3A_1075 = arith.index_cast %add3A_1056 : i32 to index
      %get3A_1076 = memref.load %arg1[%get3A_1074, %get3A_1075] : memref<4x1024xi32, #tpu.memory_space<smem>>
      %get3A_1077 = arith.index_cast %get3A_1076 : i32 to index
      %get3A_1078 = arith.constant 0 : index
      %get3A_1079 = arith.constant 0 : index
      %get3A_1080 = vector.load %arg3[%get3A_1077, %get3A_1078, %get3A_1079] : memref<1793x8x128xf32, #tpu.memory_space<vmem>>, vector<1x8x128xf32>
      %get3A_1081 = vector.shape_cast %get3A_1080 : vector<1x8x128xf32> to vector<8x128xf32>
      %get3A_1082 = arith.constant 3 : index
      %get3A_1083 = arith.index_cast %add3A_1056 : i32 to index
      %get3A_1084 = memref.load %arg1[%get3A_1082, %get3A_1083] : memref<4x1024xi32, #tpu.memory_space<smem>>
      %get3A_1085 = arith.index_cast %get3A_1084 : i32 to index
      %get3A_1086 = arith.constant 0 : index
      %get3A_1087 = arith.constant 0 : index
      %get3A_1088 = vector.load %arg3[%get3A_1085, %get3A_1086, %get3A_1087] : memref<1793x8x128xf32, #tpu.memory_space<vmem>>, vector<1x8x128xf32>
      %get3A_1089 = vector.shape_cast %get3A_1088 : vector<1x8x128xf32> to vector<8x128xf32>
      %add3A_1090 = arith.addf %get3A_1081, %get3A_1089 : vector<8x128xf32>
      %add3A_1091 = arith.addf %add3A_1073, %add3A_1090 : vector<8x128xf32>
      %swap3A_1092 = arith.index_cast %add3A_1056 : i32 to index
      %swap3A_1093 = arith.constant 0 : index
      %swap3A_1094 = arith.constant 0 : index
      %swap3A_1095 = vector.load %arg7[%swap3A_1092, %swap3A_1093, %swap3A_1094] : memref<1024x8x128xf32, #tpu.memory_space<vmem>>, vector<1x8x128xf32>
      %swap3A_1096 = vector.shape_cast %swap3A_1095 : vector<1x8x128xf32> to vector<8x128xf32>
      %swap3A_1097 = vector.shape_cast %add3A_1091 : vector<8x128xf32> to vector<1x8x128xf32>
      tpu.vector_store %arg7[%swap3A_1092, %swap3A_1093, %swap3A_1094], %swap3A_1097 {strides = array<i32>} : memref<1024x8x128xf32, #tpu.memory_space<vmem>>, vector<1x8x128xf32>,
      %add3A_1098 = arith.constant 25 : i32
      %add3A_1099 = arith.addi %mul3A_22, %add3A_1098 : i32
      %get3A_1100 = arith.constant 0 : index
      %get3A_1101 = arith.index_cast %add3A_1099 : i32 to index
      %get3A_1102 = memref.load %arg1[%get3A_1100, %get3A_1101] : memref<4x1024xi32, #tpu.memory_space<smem>>
      %get3A_1103 = arith.index_cast %get3A_1102 : i32 to index
      %get3A_1104 = arith.constant 0 : index
      %get3A_1105 = arith.constant 0 : index
      %get3A_1106 = vector.load %arg3[%get3A_1103, %get3A_1104, %get3A_1105] : memref<1793x8x128xf32, #tpu.memory_space<vmem>>, vector<1x8x128xf32>
      %get3A_1107 = vector.shape_cast %get3A_1106 : vector<1x8x128xf32> to vector<8x128xf32>
      %get3A_1108 = arith.constant 1 : index
      %get3A_1109 = arith.index_cast %add3A_1099 : i32 to index
      %get3A_1110 = memref.load %arg1[%get3A_1108, %get3A_1109] : memref<4x1024xi32, #tpu.memory_space<smem>>
      %get3A_1111 = arith.index_cast %get3A_1110 : i32 to index
      %get3A_1112 = arith.constant 0 : index
      %get3A_1113 = arith.constant 0 : index
      %get3A_1114 = vector.load %arg3[%get3A_1111, %get3A_1112, %get3A_1113] : memref<1793x8x128xf32, #tpu.memory_space<vmem>>, vector<1x8x128xf32>
      %get3A_1115 = vector.shape_cast %get3A_1114 : vector<1x8x128xf32> to vector<8x128xf32>
      %add3A_1116 = arith.addf %get3A_1107, %get3A_1115 : vector<8x128xf32>
      %get3A_1117 = arith.constant 2 : index
      %get3A_1118 = arith.index_cast %add3A_1099 : i32 to index
      %get3A_1119 = memref.load %arg1[%get3A_1117, %get3A_1118] : memref<4x1024xi32, #tpu.memory_space<smem>>
      %get3A_1120 = arith.index_cast %get3A_1119 : i32 to index
      %get3A_1121 = arith.constant 0 : index
      %get3A_1122 = arith.constant 0 : index
      %get3A_1123 = vector.load %arg3[%get3A_1120, %get3A_1121, %get3A_1122] : memref<1793x8x128xf32, #tpu.memory_space<vmem>>, vector<1x8x128xf32>
      %get3A_1124 = vector.shape_cast %get3A_1123 : vector<1x8x128xf32> to vector<8x128xf32>
      %get3A_1125 = arith.constant 3 : index
      %get3A_1126 = arith.index_cast %add3A_1099 : i32 to index
      %get3A_1127 = memref.load %arg1[%get3A_1125, %get3A_1126] : memref<4x1024xi32, #tpu.memory_space<smem>>
      %get3A_1128 = arith.index_cast %get3A_1127 : i32 to index
      %get3A_1129 = arith.constant 0 : index
      %get3A_1130 = arith.constant 0 : index
      %get3A_1131 = vector.load %arg3[%get3A_1128, %get3A_1129, %get3A_1130] : memref<1793x8x128xf32, #tpu.memory_space<vmem>>, vector<1x8x128xf32>
      %get3A_1132 = vector.shape_cast %get3A_1131 : vector<1x8x128xf32> to vector<8x128xf32>
      %add3A_1133 = arith.addf %get3A_1124, %get3A_1132 : vector<8x128xf32>
      %add3A_1134 = arith.addf %add3A_1116, %add3A_1133 : vector<8x128xf32>
      %swap3A_1135 = arith.index_cast %add3A_1099 : i32 to index
      %swap3A_1136 = arith.constant 0 : index
      %swap3A_1137 = arith.constant 0 : index
      %swap3A_1138 = vector.load %arg7[%swap3A_1135, %swap3A_1136, %swap3A_1137] : memref<1024x8x128xf32, #tpu.memory_space<vmem>>, vector<1x8x128xf32>
      %swap3A_1139 = vector.shape_cast %swap3A_1138 : vector<1x8x128xf32> to vector<8x128xf32>
      %swap3A_1140 = vector.shape_cast %add3A_1134 : vector<8x128xf32> to vector<1x8x128xf32>
      tpu.vector_store %arg7[%swap3A_1135, %swap3A_1136, %swap3A_1137], %swap3A_1140 {strides = array<i32>} : memref<1024x8x128xf32, #tpu.memory_space<vmem>>, vector<1x8x128xf32>,
      %add3A_1141 = arith.constant 26 : i32
      %add3A_1142 = arith.addi %mul3A_22, %add3A_1141 : i32
      %get3A_1143 = arith.constant 0 : index
      %get3A_1144 = arith.index_cast %add3A_1142 : i32 to index
      %get3A_1145 = memref.load %arg1[%get3A_1143, %get3A_1144] : memref<4x1024xi32, #tpu.memory_space<smem>>
      %get3A_1146 = arith.index_cast %get3A_1145 : i32 to index
      %get3A_1147 = arith.constant 0 : index
      %get3A_1148 = arith.constant 0 : index
      %get3A_1149 = vector.load %arg3[%get3A_1146, %get3A_1147, %get3A_1148] : memref<1793x8x128xf32, #tpu.memory_space<vmem>>, vector<1x8x128xf32>
      %get3A_1150 = vector.shape_cast %get3A_1149 : vector<1x8x128xf32> to vector<8x128xf32>
      %get3A_1151 = arith.constant 1 : index
      %get3A_1152 = arith.index_cast %add3A_1142 : i32 to index
      %get3A_1153 = memref.load %arg1[%get3A_1151, %get3A_1152] : memref<4x1024xi32, #tpu.memory_space<smem>>
      %get3A_1154 = arith.index_cast %get3A_1153 : i32 to index
      %get3A_1155 = arith.constant 0 : index
      %get3A_1156 = arith.constant 0 : index
      %get3A_1157 = vector.load %arg3[%get3A_1154, %get3A_1155, %get3A_1156] : memref<1793x8x128xf32, #tpu.memory_space<vmem>>, vector<1x8x128xf32>
      %get3A_1158 = vector.shape_cast %get3A_1157 : vector<1x8x128xf32> to vector<8x128xf32>
      %add3A_1159 = arith.addf %get3A_1150, %get3A_1158 : vector<8x128xf32>
      %get3A_1160 = arith.constant 2 : index
      %get3A_1161 = arith.index_cast %add3A_1142 : i32 to index
      %get3A_1162 = memref.load %arg1[%get3A_1160, %get3A_1161] : memref<4x1024xi32, #tpu.memory_space<smem>>
      %get3A_1163 = arith.index_cast %get3A_1162 : i32 to index
      %get3A_1164 = arith.constant 0 : index
      %get3A_1165 = arith.constant 0 : index
      %get3A_1166 = vector.load %arg3[%get3A_1163, %get3A_1164, %get3A_1165] : memref<1793x8x128xf32, #tpu.memory_space<vmem>>, vector<1x8x128xf32>
      %get3A_1167 = vector.shape_cast %get3A_1166 : vector<1x8x128xf32> to vector<8x128xf32>
      %get3A_1168 = arith.constant 3 : index
      %get3A_1169 = arith.index_cast %add3A_1142 : i32 to index
      %get3A_1170 = memref.load %arg1[%get3A_1168, %get3A_1169] : memref<4x1024xi32, #tpu.memory_space<smem>>
      %get3A_1171 = arith.index_cast %get3A_1170 : i32 to index
      %get3A_1172 = arith.constant 0 : index
      %get3A_1173 = arith.constant 0 : index
      %get3A_1174 = vector.load %arg3[%get3A_1171, %get3A_1172, %get3A_1173] : memref<1793x8x128xf32, #tpu.memory_space<vmem>>, vector<1x8x128xf32>
      %get3A_1175 = vector.shape_cast %get3A_1174 : vector<1x8x128xf32> to vector<8x128xf32>
      %add3A_1176 = arith.addf %get3A_1167, %get3A_1175 : vector<8x128xf32>
      %add3A_1177 = arith.addf %add3A_1159, %add3A_1176 : vector<8x128xf32>
      %swap3A_1178 = arith.index_cast %add3A_1142 : i32 to index
      %swap3A_1179 = arith.constant 0 : index
      %swap3A_1180 = arith.constant 0 : index
      %swap3A_1181 = vector.load %arg7[%swap3A_1178, %swap3A_1179, %swap3A_1180] : memref<1024x8x128xf32, #tpu.memory_space<vmem>>, vector<1x8x128xf32>
      %swap3A_1182 = vector.shape_cast %swap3A_1181 : vector<1x8x128xf32> to vector<8x128xf32>
      %swap3A_1183 = vector.shape_cast %add3A_1177 : vector<8x128xf32> to vector<1x8x128xf32>
      tpu.vector_store %arg7[%swap3A_1178, %swap3A_1179, %swap3A_1180], %swap3A_1183 {strides = array<i32>} : memref<1024x8x128xf32, #tpu.memory_space<vmem>>, vector<1x8x128xf32>,
      %add3A_1184 = arith.constant 27 : i32
      %add3A_1185 = arith.addi %mul3A_22, %add3A_1184 : i32
      %get3A_1186 = arith.constant 0 : index
      %get3A_1187 = arith.index_cast %add3A_1185 : i32 to index
      %get3A_1188 = memref.load %arg1[%get3A_1186, %get3A_1187] : memref<4x1024xi32, #tpu.memory_space<smem>>
      %get3A_1189 = arith.index_cast %get3A_1188 : i32 to index
      %get3A_1190 = arith.constant 0 : index
      %get3A_1191 = arith.constant 0 : index
      %get3A_1192 = vector.load %arg3[%get3A_1189, %get3A_1190, %get3A_1191] : memref<1793x8x128xf32, #tpu.memory_space<vmem>>, vector<1x8x128xf32>
      %get3A_1193 = vector.shape_cast %get3A_1192 : vector<1x8x128xf32> to vector<8x128xf32>
      %get3A_1194 = arith.constant 1 : index
      %get3A_1195 = arith.index_cast %add3A_1185 : i32 to index
      %get3A_1196 = memref.load %arg1[%get3A_1194, %get3A_1195] : memref<4x1024xi32, #tpu.memory_space<smem>>
      %get3A_1197 = arith.index_cast %get3A_1196 : i32 to index
      %get3A_1198 = arith.constant 0 : index
      %get3A_1199 = arith.constant 0 : index
      %get3A_1200 = vector.load %arg3[%get3A_1197, %get3A_1198, %get3A_1199] : memref<1793x8x128xf32, #tpu.memory_space<vmem>>, vector<1x8x128xf32>
      %get3A_1201 = vector.shape_cast %get3A_1200 : vector<1x8x128xf32> to vector<8x128xf32>
      %add3A_1202 = arith.addf %get3A_1193, %get3A_1201 : vector<8x128xf32>
      %get3A_1203 = arith.constant 2 : index
      %get3A_1204 = arith.index_cast %add3A_1185 : i32 to index
      %get3A_1205 = memref.load %arg1[%get3A_1203, %get3A_1204] : memref<4x1024xi32, #tpu.memory_space<smem>>
      %get3A_1206 = arith.index_cast %get3A_1205 : i32 to index
      %get3A_1207 = arith.constant 0 : index
      %get3A_1208 = arith.constant 0 : index
      %get3A_1209 = vector.load %arg3[%get3A_1206, %get3A_1207, %get3A_1208] : memref<1793x8x128xf32, #tpu.memory_space<vmem>>, vector<1x8x128xf32>
      %get3A_1210 = vector.shape_cast %get3A_1209 : vector<1x8x128xf32> to vector<8x128xf32>
      %get3A_1211 = arith.constant 3 : index
      %get3A_1212 = arith.index_cast %add3A_1185 : i32 to index
      %get3A_1213 = memref.load %arg1[%get3A_1211, %get3A_1212] : memref<4x1024xi32, #tpu.memory_space<smem>>
      %get3A_1214 = arith.index_cast %get3A_1213 : i32 to index
      %get3A_1215 = arith.constant 0 : index
      %get3A_1216 = arith.constant 0 : index
      %get3A_1217 = vector.load %arg3[%get3A_1214, %get3A_1215, %get3A_1216] : memref<1793x8x128xf32, #tpu.memory_space<vmem>>, vector<1x8x128xf32>
      %get3A_1218 = vector.shape_cast %get3A_1217 : vector<1x8x128xf32> to vector<8x128xf32>
      %add3A_1219 = arith.addf %get3A_1210, %get3A_1218 : vector<8x128xf32>
      %add3A_1220 = arith.addf %add3A_1202, %add3A_1219 : vector<8x128xf32>
      %swap3A_1221 = arith.index_cast %add3A_1185 : i32 to index
      %swap3A_1222 = arith.constant 0 : index
      %swap3A_1223 = arith.constant 0 : index
      %swap3A_1224 = vector.load %arg7[%swap3A_1221, %swap3A_1222, %swap3A_1223] : memref<1024x8x128xf32, #tpu.memory_space<vmem>>, vector<1x8x128xf32>
      %swap3A_1225 = vector.shape_cast %swap3A_1224 : vector<1x8x128xf32> to vector<8x128xf32>
      %swap3A_1226 = vector.shape_cast %add3A_1220 : vector<8x128xf32> to vector<1x8x128xf32>
      tpu.vector_store %arg7[%swap3A_1221, %swap3A_1222, %swap3A_1223], %swap3A_1226 {strides = array<i32>} : memref<1024x8x128xf32, #tpu.memory_space<vmem>>, vector<1x8x128xf32>,
      %add3A_1227 = arith.constant 28 : i32
      %add3A_1228 = arith.addi %mul3A_22, %add3A_1227 : i32
      %get3A_1229 = arith.constant 0 : index
      %get3A_1230 = arith.index_cast %add3A_1228 : i32 to index
      %get3A_1231 = memref.load %arg1[%get3A_1229, %get3A_1230] : memref<4x1024xi32, #tpu.memory_space<smem>>
      %get3A_1232 = arith.index_cast %get3A_1231 : i32 to index
      %get3A_1233 = arith.constant 0 : index
      %get3A_1234 = arith.constant 0 : index
      %get3A_1235 = vector.load %arg3[%get3A_1232, %get3A_1233, %get3A_1234] : memref<1793x8x128xf32, #tpu.memory_space<vmem>>, vector<1x8x128xf32>
      %get3A_1236 = vector.shape_cast %get3A_1235 : vector<1x8x128xf32> to vector<8x128xf32>
      %get3A_1237 = arith.constant 1 : index
      %get3A_1238 = arith.index_cast %add3A_1228 : i32 to index
      %get3A_1239 = memref.load %arg1[%get3A_1237, %get3A_1238] : memref<4x1024xi32, #tpu.memory_space<smem>>
      %get3A_1240 = arith.index_cast %get3A_1239 : i32 to index
      %get3A_1241 = arith.constant 0 : index
      %get3A_1242 = arith.constant 0 : index
      %get3A_1243 = vector.load %arg3[%get3A_1240, %get3A_1241, %get3A_1242] : memref<1793x8x128xf32, #tpu.memory_space<vmem>>, vector<1x8x128xf32>
      %get3A_1244 = vector.shape_cast %get3A_1243 : vector<1x8x128xf32> to vector<8x128xf32>
      %add3A_1245 = arith.addf %get3A_1236, %get3A_1244 : vector<8x128xf32>
      %get3A_1246 = arith.constant 2 : index
      %get3A_1247 = arith.index_cast %add3A_1228 : i32 to index
      %get3A_1248 = memref.load %arg1[%get3A_1246, %get3A_1247] : memref<4x1024xi32, #tpu.memory_space<smem>>
      %get3A_1249 = arith.index_cast %get3A_1248 : i32 to index
      %get3A_1250 = arith.constant 0 : index
      %get3A_1251 = arith.constant 0 : index
      %get3A_1252 = vector.load %arg3[%get3A_1249, %get3A_1250, %get3A_1251] : memref<1793x8x128xf32, #tpu.memory_space<vmem>>, vector<1x8x128xf32>
      %get3A_1253 = vector.shape_cast %get3A_1252 : vector<1x8x128xf32> to vector<8x128xf32>
      %get3A_1254 = arith.constant 3 : index
      %get3A_1255 = arith.index_cast %add3A_1228 : i32 to index
      %get3A_1256 = memref.load %arg1[%get3A_1254, %get3A_1255] : memref<4x1024xi32, #tpu.memory_space<smem>>
      %get3A_1257 = arith.index_cast %get3A_1256 : i32 to index
      %get3A_1258 = arith.constant 0 : index
      %get3A_1259 = arith.constant 0 : index
      %get3A_1260 = vector.load %arg3[%get3A_1257, %get3A_1258, %get3A_1259] : memref<1793x8x128xf32, #tpu.memory_space<vmem>>, vector<1x8x128xf32>
      %get3A_1261 = vector.shape_cast %get3A_1260 : vector<1x8x128xf32> to vector<8x128xf32>
      %add3A_1262 = arith.addf %get3A_1253, %get3A_1261 : vector<8x128xf32>
      %add3A_1263 = arith.addf %add3A_1245, %add3A_1262 : vector<8x128xf32>
      %swap3A_1264 = arith.index_cast %add3A_1228 : i32 to index
      %swap3A_1265 = arith.constant 0 : index
      %swap3A_1266 = arith.constant 0 : index
      %swap3A_1267 = vector.load %arg7[%swap3A_1264, %swap3A_1265, %swap3A_1266] : memref<1024x8x128xf32, #tpu.memory_space<vmem>>, vector<1x8x128xf32>
      %swap3A_1268 = vector.shape_cast %swap3A_1267 : vector<1x8x128xf32> to vector<8x128xf32>
      %swap3A_1269 = vector.shape_cast %add3A_1263 : vector<8x128xf32> to vector<1x8x128xf32>
      tpu.vector_store %arg7[%swap3A_1264, %swap3A_1265, %swap3A_1266], %swap3A_1269 {strides = array<i32>} : memref<1024x8x128xf32, #tpu.memory_space<vmem>>, vector<1x8x128xf32>,
      %add3A_1270 = arith.constant 29 : i32
      %add3A_1271 = arith.addi %mul3A_22, %add3A_1270 : i32
      %get3A_1272 = arith.constant 0 : index
      %get3A_1273 = arith.index_cast %add3A_1271 : i32 to index
      %get3A_1274 = memref.load %arg1[%get3A_1272, %get3A_1273] : memref<4x1024xi32, #tpu.memory_space<smem>>
      %get3A_1275 = arith.index_cast %get3A_1274 : i32 to index
      %get3A_1276 = arith.constant 0 : index
      %get3A_1277 = arith.constant 0 : index
      %get3A_1278 = vector.load %arg3[%get3A_1275, %get3A_1276, %get3A_1277] : memref<1793x8x128xf32, #tpu.memory_space<vmem>>, vector<1x8x128xf32>
      %get3A_1279 = vector.shape_cast %get3A_1278 : vector<1x8x128xf32> to vector<8x128xf32>
      %get3A_1280 = arith.constant 1 : index
      %get3A_1281 = arith.index_cast %add3A_1271 : i32 to index
      %get3A_1282 = memref.load %arg1[%get3A_1280, %get3A_1281] : memref<4x1024xi32, #tpu.memory_space<smem>>
      %get3A_1283 = arith.index_cast %get3A_1282 : i32 to index
      %get3A_1284 = arith.constant 0 : index
      %get3A_1285 = arith.constant 0 : index
      %get3A_1286 = vector.load %arg3[%get3A_1283, %get3A_1284, %get3A_1285] : memref<1793x8x128xf32, #tpu.memory_space<vmem>>, vector<1x8x128xf32>
      %get3A_1287 = vector.shape_cast %get3A_1286 : vector<1x8x128xf32> to vector<8x128xf32>
      %add3A_1288 = arith.addf %get3A_1279, %get3A_1287 : vector<8x128xf32>
      %get3A_1289 = arith.constant 2 : index
      %get3A_1290 = arith.index_cast %add3A_1271 : i32 to index
      %get3A_1291 = memref.load %arg1[%get3A_1289, %get3A_1290] : memref<4x1024xi32, #tpu.memory_space<smem>>
      %get3A_1292 = arith.index_cast %get3A_1291 : i32 to index
      %get3A_1293 = arith.constant 0 : index
      %get3A_1294 = arith.constant 0 : index
      %get3A_1295 = vector.load %arg3[%get3A_1292, %get3A_1293, %get3A_1294] : memref<1793x8x128xf32, #tpu.memory_space<vmem>>, vector<1x8x128xf32>
      %get3A_1296 = vector.shape_cast %get3A_1295 : vector<1x8x128xf32> to vector<8x128xf32>
      %get3A_1297 = arith.constant 3 : index
      %get3A_1298 = arith.index_cast %add3A_1271 : i32 to index
      %get3A_1299 = memref.load %arg1[%get3A_1297, %get3A_1298] : memref<4x1024xi32, #tpu.memory_space<smem>>
      %get3A_1300 = arith.index_cast %get3A_1299 : i32 to index
      %get3A_1301 = arith.constant 0 : index
      %get3A_1302 = arith.constant 0 : index
      %get3A_1303 = vector.load %arg3[%get3A_1300, %get3A_1301, %get3A_1302] : memref<1793x8x128xf32, #tpu.memory_space<vmem>>, vector<1x8x128xf32>
      %get3A_1304 = vector.shape_cast %get3A_1303 : vector<1x8x128xf32> to vector<8x128xf32>
      %add3A_1305 = arith.addf %get3A_1296, %get3A_1304 : vector<8x128xf32>
      %add3A_1306 = arith.addf %add3A_1288, %add3A_1305 : vector<8x128xf32>
      %swap3A_1307 = arith.index_cast %add3A_1271 : i32 to index
      %swap3A_1308 = arith.constant 0 : index
      %swap3A_1309 = arith.constant 0 : index
      %swap3A_1310 = vector.load %arg7[%swap3A_1307, %swap3A_1308, %swap3A_1309] : memref<1024x8x128xf32, #tpu.memory_space<vmem>>, vector<1x8x128xf32>
      %swap3A_1311 = vector.shape_cast %swap3A_1310 : vector<1x8x128xf32> to vector<8x128xf32>
      %swap3A_1312 = vector.shape_cast %add3A_1306 : vector<8x128xf32> to vector<1x8x128xf32>
      tpu.vector_store %arg7[%swap3A_1307, %swap3A_1308, %swap3A_1309], %swap3A_1312 {strides = array<i32>} : memref<1024x8x128xf32, #tpu.memory_space<vmem>>, vector<1x8x128xf32>,
      %add3A_1313 = arith.constant 30 : i32
      %add3A_1314 = arith.addi %mul3A_22, %add3A_1313 : i32
      %get3A_1315 = arith.constant 0 : index
      %get3A_1316 = arith.index_cast %add3A_1314 : i32 to index
      %get3A_1317 = memref.load %arg1[%get3A_1315, %get3A_1316] : memref<4x1024xi32, #tpu.memory_space<smem>>
      %get3A_1318 = arith.index_cast %get3A_1317 : i32 to index
      %get3A_1319 = arith.constant 0 : index
      %get3A_1320 = arith.constant 0 : index
      %get3A_1321 = vector.load %arg3[%get3A_1318, %get3A_1319, %get3A_1320] : memref<1793x8x128xf32, #tpu.memory_space<vmem>>, vector<1x8x128xf32>
      %get3A_1322 = vector.shape_cast %get3A_1321 : vector<1x8x128xf32> to vector<8x128xf32>
      %get3A_1323 = arith.constant 1 : index
      %get3A_1324 = arith.index_cast %add3A_1314 : i32 to index
      %get3A_1325 = memref.load %arg1[%get3A_1323, %get3A_1324] : memref<4x1024xi32, #tpu.memory_space<smem>>
      %get3A_1326 = arith.index_cast %get3A_1325 : i32 to index
      %get3A_1327 = arith.constant 0 : index
      %get3A_1328 = arith.constant 0 : index
      %get3A_1329 = vector.load %arg3[%get3A_1326, %get3A_1327, %get3A_1328] : memref<1793x8x128xf32, #tpu.memory_space<vmem>>, vector<1x8x128xf32>
      %get3A_1330 = vector.shape_cast %get3A_1329 : vector<1x8x128xf32> to vector<8x128xf32>
      %add3A_1331 = arith.addf %get3A_1322, %get3A_1330 : vector<8x128xf32>
      %get3A_1332 = arith.constant 2 : index
      %get3A_1333 = arith.index_cast %add3A_1314 : i32 to index
      %get3A_1334 = memref.load %arg1[%get3A_1332, %get3A_1333] : memref<4x1024xi32, #tpu.memory_space<smem>>
      %get3A_1335 = arith.index_cast %get3A_1334 : i32 to index
      %get3A_1336 = arith.constant 0 : index
      %get3A_1337 = arith.constant 0 : index
      %get3A_1338 = vector.load %arg3[%get3A_1335, %get3A_1336, %get3A_1337] : memref<1793x8x128xf32, #tpu.memory_space<vmem>>, vector<1x8x128xf32>
      %get3A_1339 = vector.shape_cast %get3A_1338 : vector<1x8x128xf32> to vector<8x128xf32>
      %get3A_1340 = arith.constant 3 : index
      %get3A_1341 = arith.index_cast %add3A_1314 : i32 to index
      %get3A_1342 = memref.load %arg1[%get3A_1340, %get3A_1341] : memref<4x1024xi32, #tpu.memory_space<smem>>
      %get3A_1343 = arith.index_cast %get3A_1342 : i32 to index
      %get3A_1344 = arith.constant 0 : index
      %get3A_1345 = arith.constant 0 : index
      %get3A_1346 = vector.load %arg3[%get3A_1343, %get3A_1344, %get3A_1345] : memref<1793x8x128xf32, #tpu.memory_space<vmem>>, vector<1x8x128xf32>
      %get3A_1347 = vector.shape_cast %get3A_1346 : vector<1x8x128xf32> to vector<8x128xf32>
      %add3A_1348 = arith.addf %get3A_1339, %get3A_1347 : vector<8x128xf32>
      %add3A_1349 = arith.addf %add3A_1331, %add3A_1348 : vector<8x128xf32>
      %swap3A_1350 = arith.index_cast %add3A_1314 : i32 to index
      %swap3A_1351 = arith.constant 0 : index
      %swap3A_1352 = arith.constant 0 : index
      %swap3A_1353 = vector.load %arg7[%swap3A_1350, %swap3A_1351, %swap3A_1352] : memref<1024x8x128xf32, #tpu.memory_space<vmem>>, vector<1x8x128xf32>
      %swap3A_1354 = vector.shape_cast %swap3A_1353 : vector<1x8x128xf32> to vector<8x128xf32>
      %swap3A_1355 = vector.shape_cast %add3A_1349 : vector<8x128xf32> to vector<1x8x128xf32>
      tpu.vector_store %arg7[%swap3A_1350, %swap3A_1351, %swap3A_1352], %swap3A_1355 {strides = array<i32>} : memref<1024x8x128xf32, #tpu.memory_space<vmem>>, vector<1x8x128xf32>,
      %add3A_1356 = arith.constant 31 : i32
      %add3A_1357 = arith.addi %mul3A_22, %add3A_1356 : i32
      %get3A_1358 = arith.constant 0 : index
      %get3A_1359 = arith.index_cast %add3A_1357 : i32 to index
      %get3A_1360 = memref.load %arg1[%get3A_1358, %get3A_1359] : memref<4x1024xi32, #tpu.memory_space<smem>>
      %get3A_1361 = arith.index_cast %get3A_1360 : i32 to index
      %get3A_1362 = arith.constant 0 : index
      %get3A_1363 = arith.constant 0 : index
      %get3A_1364 = vector.load %arg3[%get3A_1361, %get3A_1362, %get3A_1363] : memref<1793x8x128xf32, #tpu.memory_space<vmem>>, vector<1x8x128xf32>
      %get3A_1365 = vector.shape_cast %get3A_1364 : vector<1x8x128xf32> to vector<8x128xf32>
      %get3A_1366 = arith.constant 1 : index
      %get3A_1367 = arith.index_cast %add3A_1357 : i32 to index
      %get3A_1368 = memref.load %arg1[%get3A_1366, %get3A_1367] : memref<4x1024xi32, #tpu.memory_space<smem>>
      %get3A_1369 = arith.index_cast %get3A_1368 : i32 to index
      %get3A_1370 = arith.constant 0 : index
      %get3A_1371 = arith.constant 0 : index
      %get3A_1372 = vector.load %arg3[%get3A_1369, %get3A_1370, %get3A_1371] : memref<1793x8x128xf32, #tpu.memory_space<vmem>>, vector<1x8x128xf32>
      %get3A_1373 = vector.shape_cast %get3A_1372 : vector<1x8x128xf32> to vector<8x128xf32>
      %add3A_1374 = arith.addf %get3A_1365, %get3A_1373 : vector<8x128xf32>
      %get3A_1375 = arith.constant 2 : index
      %get3A_1376 = arith.index_cast %add3A_1357 : i32 to index
      %get3A_1377 = memref.load %arg1[%get3A_1375, %get3A_1376] : memref<4x1024xi32, #tpu.memory_space<smem>>
      %get3A_1378 = arith.index_cast %get3A_1377 : i32 to index
      %get3A_1379 = arith.constant 0 : index
      %get3A_1380 = arith.constant 0 : index
      %get3A_1381 = vector.load %arg3[%get3A_1378, %get3A_1379, %get3A_1380] : memref<1793x8x128xf32, #tpu.memory_space<vmem>>, vector<1x8x128xf32>
      %get3A_1382 = vector.shape_cast %get3A_1381 : vector<1x8x128xf32> to vector<8x128xf32>
      %get3A_1383 = arith.constant 3 : index
      %get3A_1384 = arith.index_cast %add3A_1357 : i32 to index
      %get3A_1385 = memref.load %arg1[%get3A_1383, %get3A_1384] : memref<4x1024xi32, #tpu.memory_space<smem>>
      %get3A_1386 = arith.index_cast %get3A_1385 : i32 to index
      %get3A_1387 = arith.constant 0 : index
      %get3A_1388 = arith.constant 0 : index
      %get3A_1389 = vector.load %arg3[%get3A_1386, %get3A_1387, %get3A_1388] : memref<1793x8x128xf32, #tpu.memory_space<vmem>>, vector<1x8x128xf32>
      %get3A_1390 = vector.shape_cast %get3A_1389 : vector<1x8x128xf32> to vector<8x128xf32>
      %add3A_1391 = arith.addf %get3A_1382, %get3A_1390 : vector<8x128xf32>
      %add3A_1392 = arith.addf %add3A_1374, %add3A_1391 : vector<8x128xf32>
      %swap3A_1393 = arith.index_cast %add3A_1357 : i32 to index
      %swap3A_1394 = arith.constant 0 : index
      %swap3A_1395 = arith.constant 0 : index
      %swap3A_1396 = vector.load %arg7[%swap3A_1393, %swap3A_1394, %swap3A_1395] : memref<1024x8x128xf32, #tpu.memory_space<vmem>>, vector<1x8x128xf32>
      %swap3A_1397 = vector.shape_cast %swap3A_1396 : vector<1x8x128xf32> to vector<8x128xf32>
      %swap3A_1398 = vector.shape_cast %add3A_1392 : vector<8x128xf32> to vector<1x8x128xf32>
      tpu.vector_store %arg7[%swap3A_1393, %swap3A_1394, %swap3A_1395], %swap3A_1398 {strides = array<i32>} : memref<1024x8x128xf32, #tpu.memory_space<vmem>>, vector<1x8x128xf32>,
    }
    %scan3A_13 = arith.constant 32 : i32
    %get3A_14 = arith.constant 0 : index
    %get3A_15 = arith.constant 0 : index
    %get3A_16 = arith.constant 0 : index
    %get3A_17 = vector.load %arg7[%get3A_14, %get3A_15, %get3A_16] : memref<1024x8x128xf32, #tpu.memory_space<vmem>>, vector<1024x8x128xf32>
    %reshape3A = vector.shape_cast %get3A_17 : vector<1024x8x128xf32> to vector<1024x1024xf32>
    %add3A_18 = arith.addf %reshape3A, %add3A_9 : vector<1024x1024xf32>
    %swap3A = arith.constant 0 : index
    %swap3A_19 = arith.constant 0 : index
    %swap3A_20 = vector.load %arg6[%swap3A, %swap3A_19] : memref<1024x1024xf32, #tpu.memory_space<vmem>>, vector<1024x1024xf32>
    tpu.vector_store %arg6[%swap3A, %swap3A_19], %add3A_18 {strides = array<i32>} : memref<1024x1024xf32, #tpu.memory_space<vmem>>, vector<1024x1024xf32>,
    return
  }
  func.func @transform_0(%arg0: i32) -> (i32, i32) {
    %c0_i32 = arith.constant 0 : i32
    %c0_i32_0 = arith.constant 0 : i32
    return %c0_i32, %arg0 : i32, i32
  }
  func.func @transform_1(%arg0: i32) -> (i32, i32) {
    %c0_i32 = arith.constant 0 : i32
    %c0_i32_0 = arith.constant 0 : i32
    return %arg0, %c0_i32 : i32, i32
  }
  func.func @transform_2(%arg0: i32) -> (i32, i32, i32) {
    %c0_i32 = arith.constant 0 : i32
    %c0_i32_0 = arith.constant 0 : i32
    %c0_i32_1 = arith.constant 0 : i32
    %c0_i32_2 = arith.constant 0 : i32
    return %c0_i32, %c0_i32_0, %c0_i32_1 : i32, i32, i32
  }
  func.func @transform_3(%arg0: i32) -> (i32, i32) {
    %c0_i32 = arith.constant 0 : i32
    %c0_i32_0 = arith.constant 0 : i32
    %c0_i32_1 = arith.constant 0 : i32
    return %c0_i32, %c0_i32_0 : i32, i32
  }
  func.func @transform_4(%arg0: i32) -> (i32, i32) {
    %c0_i32 = arith.constant 0 : i32
    %c0_i32_0 = arith.constant 0 : i32
    %c0_i32_1 = arith.constant 0 : i32
    return %c0_i32, %c0_i32_0 : i32, i32
  }
  func.func @transform_5(%arg0: i32) -> (i32, i32) {
    %c0_i32 = arith.constant 0 : i32
    %c0_i32_0 = arith.constant 0 : i32
    return %arg0, %c0_i32 : i32, i32
  }
}

</mosaic_0001>

<sc_bundles>
// kernel: sparse-core-data-format-call.cloned.1.call-start
scs
called_computation_lowered:
.L_overlay_start_0:
0x0: {  	s2 =	sld [smem:$0x3FD9]  }
0x1: {  	s3 =	sld [smem:$0x3FFE];
	_ =	sdelay $0x1  }
0x2: {  	s1 =	srdreg.scid  }
0x3: {  	s0 =	sand.u32 $0x1, s1  }
0x4: {  	s18 =	sshll.u32 s0, $0xA;
	s2 =	sadd.s32 s3, s2  }
0x5: {  	s2 =	sadd.s32 s2, s18  }
0x6: {  	[smem:$0x3FC3] =	sst s2  }
0x7: {  	_ = 	snop  }
0x8: {  	s2 =	sld [smem:$0x3FD0];
	(tm) =	ssettm $0x1  }
0x9: {  	s19 =	sld [smem:$0x3FFB];
	_ =	sdelay $0x3  }
0xa: {  	_ =	strace s19  }
0xb: {  	s3 =	sld [smem:$0x3FFC];
	_ =	sdelay $0x3  }
0xc: {  	_ =	strace s3  }
0xd: {  	s3 =	sld [smem:$0x3FFD];
	_ =	sdelay $0x3  }
0xe: {  	_ =	strace s3  }
0xf: {  	_ =	strace $0x8FFFFFFF  }
0x10: {  	s20 =	sld [smem:$0x3FDB];
	_ =	sdelay $0x1  }
0x11: {  	s4 =	simm.s32 $_scs_section_size  }
0x12: {  	s5 =	simm.s32 $_size__tile_overlayer_lowered;
	s6 =	simm.s32 $_tile_overlayer_lowered  }
0x13: {  	s23 =	simm.s32 $0x1BFF;
	s22 =	sshll.u32 s6, $0x1;
	s3 =	sadd.s32 s4, s20  }
0x14: {  	s7 =	simm.s32 $0x0;
	s21 =	sshll.u32 s5, $0x1;
	s5 =	sadd.s32 s22, s3  }
0x15: {  	[timem:s7], [sflag:s23] =	dma.local [hbm:s5], s21  }
0x16: {  	_ =	swait.ge [sflag:s23], s21  }
0x17: {  	s4 =	ssub.s32 $0x0, s21;
	[sflag:s23] =	ssyncset.done $0x0  }
0x18: {  	[sflag:s23] =	ssyncadd.s32 s4;
	_ =	sdelay $0x1  }
0x19: {  	s24 =	simm.s32 $0x1B8B  }
0x1a: {  	_ =	swait.ge [sflag:s24], $0x1  }
0x1b: {  	[sflag:s24] =	ssyncset.done $0x0  }
0x1c: {  	s26 =	simm.s32 $0x1B8E;
	s25 =	sld [smem:$0x3FFE];
	[sflag:s24] =	ssyncadd.s32 $0xFFFFFFFF  }
0x1d: {  	s27 =	simm.s32 $execute0_lowered;
	[smem:$0x3FD2] =	sst s26  }
0x1e: {  	s5 =	sshll.u32 s27, $0x1;
	_ =	strace $0x80000046;
	[dreg:$0x1] =	wrdreg $0xFFFFFFFF  }
0x1f: {  	s28 =	simm.s32 $_size_execute0_lowered;
	s3 =	sadd.s32 s3, s5;
	[dreg:$0x0] =	wrdreg $0x0  }
0x20: {  	s5 =	sshll.u32 s28, $0x1;
	[dreg:$0x2] =	wrdreg s3  }
0x21: {  	[dreg:$0x3] =	wrdreg s5  }
0x22: {  	[dreg:$0x4] =	wrdreg $0xC0  }
0x23: {  	_ =	task [dreg:s7], $0x5FFFF  }
0x24: {  	[dreg:$0x1] =	wrdreg $0xFFFFFFFF  }
0x25: {  	[dreg:$0x0] =	wrdreg $0x60  }
0x26: {  	[dreg:$0x2] =	wrdreg s2  }
0x27: {  	[dreg:$0x3] =	wrdreg s25  }
0x28: {  	[dreg:$0x4] =	wrdreg $0x9  }
0x29: {  	_ =	task.clear_ibuf [dreg:s7], $0x5FFFF;
	_ =	strace $0x90000046  }
0x2a: {  	s29 =	simm.s32 $0x9;
	_ =	strace $0x80000048  }
0x2b: {  	_ =	swait.ge [sflag:s29], $0x1  }
0x2c: {  	[sflag:s29] =	ssyncadd.s32 $0xFFFFFFFF  }
0x2d: {  	_ =	strace $0x90000048  }
0x2e: {  	_ =	sfence  }
0x2f: {  	s30 =	sld [smem:$0x0];
	_ =	sdelay $0x2  }
0x30: {  	s31 =	sshll.u32 s1, $0xD;
	s1 =	sshrl.u32 s1, $0x2  }
0x31: {  	s3 =	sand.u32 $0x4000, s31;
	s1 =	sadd.s32 s1, s30  }
0x32: {  	s0 =	sor.u32 s3, s0;
	s1 =	sshll.u32 s1, $0x11  }
0x33: {  	s0 =	sor.u32 s1, s0  }
0x34: {  	s0 =	sadd.s32 $0x8F2B, s0  }
0x35: {  	[sflag:s0] =	ssyncadd.remote.s32 $0x1  }
0x36: {  	_ =	sfence.sel $0xFFFF  }
0x37: {  	[dreg:$0x0] =	wrdreg $0xFFFFFFFF;
	(pc) =	sbr.abs _section_cstart, $3  }
0x38: {  	[dreg:$0x1] =	wrdreg $0xFFFFFFFF  }
0x39: {  	_ =	task.clear_ibuf [dreg:s7], $0x2FFFF;
	_ =	strace $0x9FFFFFFF  }
0x3a: {  	(tm) =	ssettm $0x7FFFFFFF  }
0x3b: {  	_ =	shalt  }
tec
execute0_lowered:
.L_overlay_start_1:
0x0: {  	(tag) =	ssettag $0x1  }
0x1: {  	s0 =	stileid.u32;
	s1 =	srdreg.scid  }
0x2: {  	s7 =	rddreg [dreg:$0x0];
	s2 =	sshll.u32 s0, $0x5;
	s1 =	sshll.u32 s1, $0x9  }
0x3: {  	s4 =	rddreg [dreg:$0x1];
	s1 =	sor.u32 s2, s1  }
0x4: {  	s5 =	simm.s32 $0x1;
	s8 =	simm.s32 $0x2;
	s2 =	sand.u32 $0x300, s1  }
0x5: {  	s13 =	simm.s32 $0x0;
	s9 =	simm.s32 $0x40;
	s3 =	ssub.s32 $0x400, s2  }
0x6: {  	s10 =	simm.s32 $0x6400;
	s14 =	simm.s32 $0x0;
	s31 =	sand.u32 $0x300, s3  }
0x7: {  	s12 =	simm.s32 $0x0;
	s6 =	sand.u32 $0x7, s0;
	p0 =	sne.s32 s31, $0x0  }
.Ltmp0:
0x8: {  	s3 =	sshrl.u32 s3, $0xA;
	s5 =	simm.s32 @!p0 $0x0;
	(pc) =	sbr.rel .LBB1_1-.Ltmp0, $4  }
0x9: {  	s1 =	rddreg [dreg:$0x2];
	_ =	strace $0x80000047;
	s5 =	sadd.s32 s5, s3  }
0xa: {  	s3 =	sadd.s32 $0xE00, s4;
	s4 =	simm.s32 $0x1;
	s5 =	smul.u32 $0x19, s5  }
0xb: {  	s11 =	smov.u32 s6;
	s7 =	sadd.s32 s7, s2;
	[sflag:s4] =	ssyncpa.u1 $0x0  }
0xc: {  	p0 =	por $0x0, $0x0;
	[sflag:s8] =	ssyncpa.u1 $0x0;
	s8 =	sadd.s32 $0x1, s5  }
.LBB1_4:
0xd: {  	_ = 	snop  }
0xe: {  	[tilespmem:s19+$0x1860 ss:$0x41] =	vst.msk $0xffff, v8  }
0xf: {  	[tilespmem:s19+$0x1C70 ss:$0x41] =	vst.msk $0xffff, v7  }
0x10: {  	[tilespmem:s19+$0x2490 ss:$0x41] =	vst.msk $0xffff, v1  }
0x11: {  	s22 =	sor.u32 s25, s24;
	v47 =	vld.idx.msk [tilespmem:v0+s17+$0x470 ss:$0x1], $0xffff;
	[tilespmem:s19+$0x28A0 ss:$0x41] =	vst.msk $0xffff, v2  }
0x12: {  	[tilespmem:s19+$0x2CB0 ss:$0x41] =	vst.msk $0xffff, v3;
	v57 =	vld.idx.msk [tilespmem:v0+s22+$0x410 ss:$0x1], $0xffff  }
0x13: {  	[tilespmem:s19+$0x30C0 ss:$0x41] =	vst.msk $0xffff, v4;
	v58 =	vld.idx.msk [tilespmem:v0+s22+$0x420 ss:$0x1], $0xffff  }
0x14: {  	[tilespmem:s19+$0x34D0 ss:$0x41] =	vst.msk $0xffff, v5;
	v59 =	vld.idx.msk [tilespmem:v0+s22+$0x430 ss:$0x1], $0xffff  }
0x15: {  	s30 =	sshra.s32 s20, $0x2;
	[tilespmem:s19+$0x38E0 ss:$0x41] =	vst.msk $0xffff, v6;
	v60 =	vld.idx.msk [tilespmem:v0+s22+$0x440 ss:$0x1], $0xffff  }
0x16: {  	s23 =	sand.u32 $0x3B00, s22;
	s17 =	sadd.s32 s30, s18;
	v61 =	vld.idx.msk [tilespmem:v0+s22+$0x450 ss:$0x1], $0xffff;
	[tilespmem:s19+$0x3CF0 ss:$0x41] =	vst.msk $0xffff, v47  }
0x17: {  	s21 =	sand.u32 $0x80, s21;
	v62 =	vld.idx.msk [tilespmem:v0+s22+$0x460 ss:$0x1], $0xffff;
	s16 =	sadd.s32 s23, s16;
	[tilespmem:s17+$0x2490 ss:$0x41] =	vst.msk $0xffff, v57  }
0x18: {  	v63 =	vld.idx.msk [tilespmem:v0+s22+$0x470 ss:$0x1], $0xffff;
	s16 =	sadd.s32 s21, s16;
	[tilespmem:s17+$0x28A0 ss:$0x41] =	vst.msk $0xffff, v58  }
0x19: {  	v48 =	vld [tilespmem:s16+$0x400];
	[tilespmem:s17+$0x2CB0 ss:$0x41] =	vst.msk $0xffff, v59  }
0x1a: {  	v49 =	vld [tilespmem:s16+$0x0];
	[tilespmem:s17+$0x30C0 ss:$0x41] =	vst.msk $0xffff, v60  }
0x1b: {  	v50 =	vld [tilespmem:s16+$0x10];
	[tilespmem:s17+$0x34D0 ss:$0x41] =	vst.msk $0xffff, v61  }
0x1c: {  	v51 =	vld [tilespmem:s16+$0x20];
	[tilespmem:s17+$0x38E0 ss:$0x41] =	vst.msk $0xffff, v62  }
0x1d: {  	v52 =	vld [tilespmem:s16+$0x30];
	[tilespmem:s17+$0x3CF0 ss:$0x41] =	vst.msk $0xffff, v63  }
0x1e: {  	v53 =	vld [tilespmem:s16+$0x40];
	[tilespmem:s17+$0x2080 ss:$0x41] =	vst.msk $0xffff, v48  }
0x1f: {  	s14 =	sand.u32 $0x1FFFFFF, s14;
	v54 =	vld [tilespmem:s16+$0x50];
	[tilespmem:s17+$0x0 ss:$0x41] =	vst.msk $0xffff, v49  }
0x20: {  	s31 =	smulhi.u32 $0x147AE15, s14;
	v55 =	vld [tilespmem:s16+$0x60];
	[tilespmem:s17+$0x410 ss:$0x41] =	vst.msk $0xffff, v50  }
0x21: {  	v56 =	vld [tilespmem:s16+$0x70];
	[tilespmem:s17+$0x820 ss:$0x41] =	vst.msk $0xffff, v51  }
0x22: {  	s16 =	smul.u32 $0xC8, s31;
	[tilespmem:s17+$0xC30 ss:$0x41] =	vst.msk $0xffff, v52  }
0x23: {  	s13 =	smul.u32 $0xC80, s13;
	[tilespmem:s17+$0x1040 ss:$0x41] =	vst.msk $0xffff, v53  }
0x24: {  	s14 =	ssub.s32 s14, s16;
	[tilespmem:s17+$0x1450 ss:$0x41] =	vst.msk $0xffff, v54  }
0x25: {  	s13 =	sadd.s32 s3, s13;
	s14 =	sshll.u32 s14, $0x4;
	[tilespmem:s17+$0x1860 ss:$0x41] =	vst.msk $0xffff, v55  }
0x26: {  	s13 =	sadd.s32 s14, s13;
	[tilespmem:s17+$0x1C70 ss:$0x41] =	vst.msk $0xffff, v56  }
0x27: {  	[hbm4b:s13+s9] =	stream.strided.scatter [tilespmem:s15], [sflag:$0x2], $0x4000, s10, s9, $0x18;
	[tilespmem:$0x10200] =	vst v63  }
.LBB1_5:
0x28: {  	s15 =	sadd.s32 $0x8, s11  }
0x29: {  	p2 =	sgt.s32 s15, $0xC7  }
0x2a: {  	s15 =	smov.u32 @p2 s6;
	p2 =	sne.s32 s12, s8  }
.Ltmp1:
0x2b: {  	p1 =	slt.u32 s12, $0x2;
	(pc) =	sbr.rel @!p2 .LBB1_6-.Ltmp1, $4  }
0x2c: {  	s13 =	simm.s32 @!p1 $0x2  }
0x2d: {  	s16 =	sadd.s32 $0x1, s12;
	s14 =	smov.u32 s11;
	_ =	swait.ge @!p1 [sflag:s13], $0x4000  }
0x2e: {  	p0 =	por !p0, !p0;
	s12 =	smov.u32 s16;
	[sflag:s13] =	ssyncset.done @!p1 $0x0  }
0x2f: {  	s11 =	smov.u32 s15;
	[sflag:s13] =	ssyncadd.s32 @!p1 $0xFFFFC000;
	s13 =	smov.u32 s2  }
.LBB1_1:
0x30: {  	p1 =	sge.u32 s12, s5  }
0x31: {  	p2 =	sgt.s32 @!p1 s11, $0xC7  }
0x32: {  	s15 =	smov.u32 s11;
	s16 =	sshra.s32 @!p1 s11, $0x1F;
	p2 =	por !p2, p1  }
0x33: {  	s16 =	sand.u32 @!p1 s16, s11;
	s15 =	simm.s32 @p2 $0xC7  }
0x34: {  	s15 =	ssub.s32 @!p1 s15, s16  }
0x35: {  	s16 =	ssub.s32 @!p1 $0xC8, s15  }
0x36: {  	s31 =	sadd.s32 $0xFFFFFFFF, s12;
	s16 =	smul.u32 @!p1 $0x3800, s16  }
0x37: {  	s17 =	sxor.u32 @!p1 $0xFFFFFFFF, s12;
	s18 =	simm.s32 @!p1 $0x800;
	s15 =	sadd.s32 @!p1 $0xFFFFFF39, s15  }
0x38: {  	p2 =	sgt.s32 @!p1 s15, $0x0;
	s15 =	sand.u32 @!p1 $0x3FFFF800, s16;
	s16 =	smul.u32 @!p1 $0x1C00, s11  }
0x39: {  	s19 =	simm.s32 @!p1 $0x2000;
	s17 =	sshll.u32 @!p1 s17, $0xE;
	p2 =	por !p2, p1  }
0x3a: {  	s17 =	sand.u32 @!p1 $0x4000, s17;
	s15 =	simm.s32 @!p2 $0x0;
	s16 =	sadd.s32 @!p1 s16, s7  }
0x3b: {  	[tilespmem:s17], [sflag:$0x1] =	stream.strided.gather @!p1 [hbm4b:s16+s18], s15, s19, s18, $0x38;
	[tilespmem:$0x10200] =	vst v63  }
0x3c: {  	p1 =	sge.u32 s31, s5  }
.Ltmp2:
0x3d: {  	_ = 	snop;
	(pc) =	sbr.rel @p1 .LBB1_5-.Ltmp2, $1  }
0x3e: {  	_ =	sdelay $0x3  }
0x3f: {  	p1 =	sgt.s32 s14, $0xC7;
	s15 =	smov.u32 s14;
	s16 =	sshra.s32 s14, $0x1F  }
0x40: {  	s15 =	simm.s32 @!p1 $0xC7;
	s16 =	sand.u32 s16, s14  }
0x41: {  	s15 =	ssub.s32 s15, s16  }
0x42: {  	s16 =	ssub.s32 $0xC8, s15  }
0x43: {  	s20 =	sand.u32 $0x1, s12;
	s17 =	smul.u32 $0x3800, s16  }
0x44: {  	s15 =	sadd.s32 $0xFFFFFF39, s15;
	s16 =	sshll.u32 s20, $0xE  }
0x45: {  	p1 =	sgt.s32 s15, $0x0;
	v0 =	vmov s16;
	s15 =	sand.u32 $0x3FFFF800, s17  }
0x46: {  	s30 =	simm.s32 $0x0;
	s15 =	simm.s32 @p1 $0x0  }
0x47: {  	s18 =	sand.u32 $0x3800, s30;
	_ =	swait.ge [sflag:s4], s15  }
0x48: {  	s19 =	sand.u32 $0x380, s30;
	s29 =	ssub.s32 $0x0, s15;
	[sflag:s4] =	ssyncset.done $0x0  }
0x49: {  	s17 =	sor.u32 s19, s18;
	[sflag:s4] =	ssyncadd.s32 s29  }
0x4a: {  	s18 =	sand.u32 $0x3B00, s17;
	v1 =	vld.idx.msk [tilespmem:v0+s17+$0x410 ss:$0x1], $0xffff  }
0x4b: {  	s19 =	simm.s32 $0x1;
	s15 =	sand.u32 $0x80, s30;
	s18 =	sadd.s32 s18, s16;
	v2 =	vld.idx.msk [tilespmem:v0+s17+$0x420 ss:$0x1], $0xffff  }
0x4c: {  	s19 =	simm.s32 @!p0 $0x0;
	s15 =	sadd.s32 s15, s18;
	v3 =	vld.idx.msk [tilespmem:v0+s17+$0x430 ss:$0x1], $0xffff  }
0x4d: {  	s31 =	smul.u32 $0x10400, s19;
	v4 =	vld [tilespmem:s15+$0x400]  }
0x4e: {  	v5 =	vld [tilespmem:s15+$0x0]  }
0x4f: {  	s18 =	sshrl.u32 s31, $0x2;
	v6 =	vld [tilespmem:s15+$0x10]  }
0x50: {  	s18 =	sor.u32 $0x8000, s18;
	v7 =	vld [tilespmem:s15+$0x20]  }
0x51: {  	v9 =	vld [tilespmem:s15+$0x30];
	s19 =	sadd.s32 $0x0, s18  }
0x52: {  	v10 =	vld [tilespmem:s15+$0x40];
	[tilespmem:s19+$0x2080 ss:$0x41] =	vst.msk $0xffff, v4  }
0x53: {  	v11 =	vld [tilespmem:s15+$0x50];
	[tilespmem:s19+$0x0 ss:$0x41] =	vst.msk $0xffff, v5  }
0x54: {  	v8 =	vld [tilespmem:s15+$0x60];
	[tilespmem:s19+$0x410 ss:$0x41] =	vst.msk $0xffff, v6  }
0x55: {  	s20 =	smul.u32 $0x10400, s20;
	[tilespmem:s19+$0x820 ss:$0x41] =	vst.msk $0xffff, v7;
	v7 =	vld [tilespmem:s15+$0x70]  }
0x56: {  	s21 =	simm.s32 $0x80;
	s22 =	simm.s32 $0x100;
	[tilespmem:s19+$0xC30 ss:$0x41] =	vst.msk $0xffff, v9;
	v4 =	vld.idx.msk [tilespmem:v0+s17+$0x440 ss:$0x1], $0xffff  }
0x57: {  	s23 =	simm.s32 $0x8;
	s24 =	sand.u32 $0x3800, s22;
	s20 =	sshrl.u32 s20, $0x2;
	[tilespmem:s19+$0x1040 ss:$0x41] =	vst.msk $0xffff, v10;
	v5 =	vld.idx.msk [tilespmem:v0+s17+$0x450 ss:$0x1], $0xffff  }
0x58: {  	s25 =	sand.u32 $0x380, s21;
	s15 =	sor.u32 $0x8000, s20;
	s20 =	simm.s32 $0x4;
	[tilespmem:s19+$0x1450 ss:$0x41] =	vst.msk $0xffff, v11;
	v6 =	vld.idx.msk [tilespmem:v0+s17+$0x460 ss:$0x1], $0xffff  }
.LBB1_3:
0x59: {  	p1 =	sne.s32 s23, $0xFC;
	[tilespmem:s19+$0x1860 ss:$0x41] =	vst.msk $0xffff, v8;
	v8 =	vld.idx.msk [tilespmem:v0+s17+$0x470 ss:$0x1], $0xffff;
	s17 =	sor.u32 s25, s24  }
0x5a: {  	s24 =	sand.u32 $0x3B00, s17;
	v9 =	vld.idx.msk [tilespmem:v0+s17+$0x410 ss:$0x1], $0xffff;
	[tilespmem:s19+$0x1C70 ss:$0x41] =	vst.msk $0xffff, v7  }
0x5b: {  	s25 =	sand.u32 $0x80, s21;
	s24 =	sadd.s32 s24, s16;
	v7 =	vld.idx.msk [tilespmem:v0+s17+$0x420 ss:$0x1], $0xffff;
	[tilespmem:s19+$0x2490 ss:$0x41] =	vst.msk $0xffff, v1  }
0x5c: {  	s24 =	sadd.s32 s25, s24;
	v10 =	vld.idx.msk [tilespmem:v0+s17+$0x430 ss:$0x1], $0xffff;
	[tilespmem:s19+$0x28A0 ss:$0x41] =	vst.msk $0xffff, v2  }
0x5d: {  	v11 =	vld [tilespmem:s24+$0x400];
	[tilespmem:s19+$0x2CB0 ss:$0x41] =	vst.msk $0xffff, v3  }
0x5e: {  	v12 =	vld [tilespmem:s24+$0x0];
	[tilespmem:s19+$0x30C0 ss:$0x41] =	vst.msk $0xffff, v4  }
0x5f: {  	v4 =	vld [tilespmem:s24+$0x10];
	[tilespmem:s19+$0x34D0 ss:$0x41] =	vst.msk $0xffff, v5  }
0x60: {  	s25 =	sshra.s32 s20, $0x2;
	s20 =	smov.u32 s23;
	v1 =	vmov v9;
	v5 =	vld [tilespmem:s24+$0x20];
	[tilespmem:s19+$0x38E0 ss:$0x41] =	vst.msk $0xffff, v6  }
0x61: {  	v2 =	vmov v7;
	v6 =	vld [tilespmem:s24+$0x30];
	[tilespmem:s19+$0x3CF0 ss:$0x41] =	vst.msk $0xffff, v8;
	s19 =	sadd.s32 s25, s18  }
0x62: {  	v3 =	vmov v10;
	v9 =	vld [tilespmem:s24+$0x40];
	[tilespmem:s19+$0x2080 ss:$0x41] =	vst.msk $0xffff, v11  }
0x63: {  	[tilespmem:s19+$0x0 ss:$0x41] =	vst.msk $0xffff, v12;
	v10 =	vld [tilespmem:s24+$0x50]  }
.Ltmp3:
0x64: {  	[tilespmem:s19+$0x410 ss:$0x41] =	vst.msk $0xffff, v4;
	v8 =	vld [tilespmem:s24+$0x60];
	(pc) =	sbr.rel @p1 .LBB1_3-.Ltmp3, $4  }
0x65: {  	[tilespmem:s19+$0x820 ss:$0x41] =	vst.msk $0xffff, v5;
	v7 =	vld [tilespmem:s24+$0x70]  }
0x66: {  	[tilespmem:s19+$0xC30 ss:$0x41] =	vst.msk $0xffff, v6;
	v4 =	vld.idx.msk [tilespmem:v0+s17+$0x440 ss:$0x1], $0xffff  }
0x67: {  	s21 =	sadd.s32 $0x80, s21;
	s22 =	sadd.s32 $0x100, s22;
	[tilespmem:s19+$0x1040 ss:$0x41] =	vst.msk $0xffff, v9;
	v5 =	vld.idx.msk [tilespmem:v0+s17+$0x450 ss:$0x1], $0xffff  }
0x68: {  	s23 =	sadd.s32 $0x4, s23;
	s25 =	sand.u32 $0x380, s21;
	s24 =	sand.u32 $0x3800, s22;
	[tilespmem:s19+$0x1450 ss:$0x41] =	vst.msk $0xffff, v10;
	v6 =	vld.idx.msk [tilespmem:v0+s17+$0x460 ss:$0x1], $0xffff  }
.Ltmp4:
0x69: {  	_ = 	snop;
	(pc) =	sbr.rel .LBB1_4-.Ltmp4, $1  }
0x6a: {  	_ =	sdelay $0x3  }
.LBB1_6:
0x6b: {  	_ =	sfence.sel $0x180000  }
0x6c: {  	s2 =	simm.s32 $0x1;
	[bflag:$0x0] =	sbarrier.arrive $0xFFFF  }
0x6d: {  	s31 =	simm.s32 $0x2;
	[sflag:s2] =	ssyncpa.u1 $0x1  }
0x6e: {  	[sflag:s31] =	ssyncpa.u1 $0x1  }
0x6f: {  	p0 =	sne.s32 s0, $0x0;
	_ =	strace $0x90000047  }
0x70: {  	s0 =	sadd.s32 @!p0 $0x100000, s1;
	[bflag:$0x2] =	sbarrier.arrive $0xFFFF  }
0x71: {  	[sflag:s0] =	ssyncadd.tile.s32 @!p0 $0x1;
	_ =	shalt  }
.Lfunc_end1:
_tile_overlayer_lowered:
.L_overlay_start_2:
0x72: {  	(tag) =	ssettag $0x2  }
0x73: {  	s0 =	rddreg [dreg:$0x0];
	s2 =	stileid.u32  }
0x74: {  	s1 =	rddreg [dreg:$0x1];
	p0 =	sne.s32 s2, $0x0  }
0x75: {  	s3 =	rddreg [dreg:$0x2];
	[bflag:$0x3] =	sbarrier.arrive $0xFFFF;
	s2 =	simm.s32 @!p0 $0x1C01  }
0x76: {  	[timem:s3], [sflag:s2] =	dma.local @!p0 [hbm:s0], s1  }
0x77: {  	s0 =	simm.s32 @!p0 $0x1  }
0x78: {  	_ =	swait.ge @!p0 [sflag:s0], s1  }
0x79: {  	s1 =	ssub.s32 @!p0 $0x0, s1;
	[sflag:s0] =	ssyncset.done @!p0 $0x0  }
0x7a: {  	[sflag:s0] =	ssyncadd.s32 @!p0 s1  }
0x7b: {  	[bflag:$0x3] =	sbarrier.arrive $0xFFFF  }
0x7c: {  	_ =	shalt  }

</sc_bundles>
